<compile_context>
chip_gen: v7x
topology: tpu7x:2x2x1
jax: 0.10.2.dev20260603
libtpu: 0.0.44.dev20260713+nightly
codegen_flags: <defaults>
</compile_context>

<pallas_src>
import functools

import jax
import jax.numpy as jnp
from jax import lax
from jax.experimental import pallas as pl
from jax.experimental.pallas import tpu as pltpu
from jax.experimental.pallas import tpu_sc as plsc

_EMB = 32
_BATCH = 16384
_NC = 2
_NS = 16
_NW = _NC * _NS
_BW = _BATCH // _NW
_NBUF = 16


def _body(emb_t, idx_hbm, out, idx_v, col_v, gbuf, sem):
    wid = lax.axis_index("s") * _NC + lax.axis_index("c")
    base_i = wid * _BW
    pltpu.sync_copy(idx_hbm.at[pl.ds(base_i, _BW)], idx_v.at[pl.ds(0, _BW)])

    def ridx(i):
        return idx_v[pl.ds(i, 16)][0]

    def fire(i):
        r = ridx(i)
        j0 = pl.multiple_of((r >> 7) * 128, 128)
        pltpu.async_copy(
            emb_t.at[:, pl.ds(j0, 128)], gbuf.at[lax.rem(i, _NBUF)], sem
        )

    def drain(i):
        pltpu.make_async_copy(
            emb_t.at[:, pl.ds(0, 128)], gbuf.at[lax.rem(i, _NBUF)], sem
        ).wait()

    iota16 = lax.broadcasted_iota(jnp.int32, (16,), 0)

    def extract(i):
        r = ridx(i)
        lane = jnp.full((16,), r & 127, jnp.int32)
        b = gbuf.at[lax.rem(i, _NBUF)]
        pos = jnp.full((16,), i, jnp.int32)
        lo = plsc.load_gather(b, [iota16, lane])
        hi = plsc.load_gather(b, [iota16 + 16, lane])
        plsc.store_scatter(col_v, [iota16, pos], lo)
        plsc.store_scatter(col_v, [iota16 + 16, pos], hi)

    for i in range(_NBUF - 1):
        fire(i)

    def step(i, carry):

        @pl.when(i + (_NBUF - 1) < _BW)
        def _():
            fire(i + (_NBUF - 1))

        drain(i)
        extract(i)
        return carry

    lax.fori_loop(0, _BW, step, 0)
    pltpu.sync_copy(col_v, out.at[:, pl.ds(base_i, _BW)])


@functools.partial(
    pl.kernel,
    mesh=plsc.VectorSubcoreMesh(core_axis_name="c", subcore_axis_name="s"),
    compiler_params=pltpu.CompilerParams(needs_layout_passes=False),
    out_type=jax.ShapeDtypeStruct((_EMB, _BATCH), jnp.float32),
    scratch_types=[
        pltpu.VMEM((_BW + 16,), jnp.int32),
        pltpu.VMEM((_EMB, _BW), jnp.float32),
        pltpu.VMEM((_NBUF, _EMB, 128), jnp.float32),
        pltpu.SemaphoreType.DMA,
    ],
)
def _sc_gather(emb_t, idx_hbm, out, idx_v, col_v, gbuf, sem):
    _body(emb_t, idx_hbm, out, idx_v, col_v, gbuf, sem)


@jax.jit
def _impl(noise_idx, env_emb):
    idx = noise_idx.astype(jnp.int32)
    perm = jnp.argsort(idx)
    out_t = _sc_gather(env_emb.T, idx[perm])
    inv = jnp.argsort(perm)
    return out_t.T[inv][:, None, :]


def kernel(noise_idx, env_emb):
    return _impl(noise_idx, env_emb)

# --- scband reference (transcript-rebuilt; emitter-appended) ---
"""Pipeline reference for scband-env-embedding-encoder-56633438765558 (READ-ONLY COPY).

The authoritative reference and input builder live on the scoring server;
editing this copy changes nothing except your own understanding.
"""

import jax, jax.numpy as jnp
import numpy as np

EMB_DIM = 32
ENV_NUM = 1000000
BATCH = 16384

def setup_inputs(seed: int = 0) -> dict:
    key = jax.random.key(seed)
    k_idx, k_emb = jax.random.split(key)
    noise_idx = jax.random.randint(k_idx, (BATCH,), 0, ENV_NUM, dtype=jnp.int64 if jax.config.jax_enable_x64 else jnp.int32)
    env_emb = jax.random.normal(k_emb, (ENV_NUM, EMB_DIM), dtype=jnp.float32)
    return {"noise_idx": noise_idx, "env_emb": env_emb}

def reference(noise_idx, env_emb):
    # nn.Embedding lookup followed by unsqueeze(1)
    out = jnp.take(env_emb, noise_idx, axis=0)  # [B, emb_dim]
    return out[:, None, :]  # [B, 1, emb_dim]

if __name__ == "__main__":
    import jax
    _d = setup_inputs()
    print(jax.jit(kernel)(*tuple(_d.values())))

</pallas_src>

<mosaic_0001>
#map = affine_map<(d0, d1) -> (0, 0)>
#map1 = affine_map<(d0, d1) -> (0)>
module attributes {stable_mosaic.version = 14 : i64} {
  func.func @_sc_gather(%arg0: i32, %arg1: i32, %arg2: memref<32x1000000xf32, #tpu.memory_space<hbm>>, %arg3: memref<16384xi32, #tpu.memory_space<hbm>>, %arg4: memref<32x16384xf32, #tpu.memory_space<hbm>>, %arg5: memref<528xi32, #tpu.memory_space<vmem>>, %arg6: memref<32x512xf32, #tpu.memory_space<vmem>>, %arg7: memref<16x32x128xf32, #tpu.memory_space<vmem>>, %arg8: memref<!tpu.dma_semaphore, #tpu.memory_space<semaphore_mem>>) attributes {dimension_semantics = [#tpu.dimension_semantics<core_parallel>, #tpu.dimension_semantics<subcore_parallel>], iteration_bounds = array<i64: 2, 16>, scalar_prefetch = 0 : i64, scratch_operands = 4 : i64, tpu.core_type = #tpu.core_type<sc_vector_subcore>, window_params = [{transform_indices = #map}, {transform_indices = #map1}, {transform_indices = #map}]} {
    %mul3A = arith.constant 2 : i32
    %mul3A_0 = arith.muli %arg1, %mul3A : i32
    %add3A = arith.addi %mul3A_0, %arg0 : i32
    %mul3A_1 = arith.constant 512 : i32
    %mul3A_2 = arith.muli %add3A, %mul3A_1 : i32
    "tpu.region"() ({
      %run_scoped3A = tpu.sem_alloc : memref<!tpu.dma_semaphore, #tpu.memory_space<semaphore_mem>>
      %dma_start3A_361 = arith.constant 0 : i32
      %dma_start3A_362 = tpu.memref_slice %arg5[%dma_start3A_361] : memref<528xi32, #tpu.memory_space<vmem>> -> memref<512xi32, #tpu.memory_space<vmem>>
      %dma_start3A_363 = tpu.memref_slice %arg3[%mul3A_2] : memref<16384xi32, #tpu.memory_space<hbm>> -> memref<512xi32, #tpu.memory_space<hbm>>
      %dma_start3A_364 = arith.constant 0 : i32
      %dma_start3A_365 = tpu.memref_slice %arg5[%dma_start3A_364] : memref<528xi32, #tpu.memory_space<vmem>> -> memref<512xi32, #tpu.memory_space<vmem>>
      %dma_start3A_366 = tpu.memref_slice %arg3[%mul3A_2] : memref<16384xi32, #tpu.memory_space<hbm>> -> memref<512xi32, #tpu.memory_space<hbm>>
      tpu.enqueue_dma source(%dma_start3A_366 : memref<512xi32, #tpu.memory_space<hbm>>) target(%dma_start3A_365 : memref<512xi32, #tpu.memory_space<vmem>>) target_semaphore(%run_scoped3A : memref<!tpu.dma_semaphore, #tpu.memory_space<semaphore_mem>>)
      %dma_wait3A = arith.constant 0 : i32
      %dma_wait3A_367 = tpu.memref_slice %arg5[%dma_wait3A] : memref<528xi32, #tpu.memory_space<vmem>> -> memref<512xi32, #tpu.memory_space<vmem>>
      %dma_wait3A_368 = tpu.memref_slice %arg3[%mul3A_2] : memref<16384xi32, #tpu.memory_space<hbm>> -> memref<512xi32, #tpu.memory_space<hbm>>
      %dma_wait3A_369 = arith.constant 0 : i32
      %dma_wait3A_370 = tpu.memref_slice %arg5[%dma_wait3A_369] : memref<528xi32, #tpu.memory_space<vmem>> -> memref<512xi32, #tpu.memory_space<vmem>>
      %dma_wait3A_371 = tpu.memref_slice %arg3[%mul3A_2] : memref<16384xi32, #tpu.memory_space<hbm>> -> memref<512xi32, #tpu.memory_space<hbm>>
      tpu.wait_dma2 semaphore(%run_scoped3A : memref<!tpu.dma_semaphore, #tpu.memory_space<semaphore_mem>>) src(%dma_wait3A_371 : memref<512xi32, #tpu.memory_space<hbm>>) dst(%dma_wait3A_370 : memref<512xi32, #tpu.memory_space<vmem>>)
      tpu.yield
    }) : () -> ()
    %iota3A = tpu.iota {dimensions = array<i32: 0>} : vector<16xi32>
    %get3A = arith.constant 0 : index
    %get3A_3 = tpu.vector_load %arg5[%get3A] {strides = array<i32>} : memref<528xi32, #tpu.memory_space<vmem>>, vector<16xi32>,
    %slice3A = vector.extract_strided_slice %get3A_3 {offsets = [0], sizes = [1], strides = [1]} : vector<16xi32> to vector<1xi32>
    %squeeze3A = vector.extract %slice3A[0] : i32 from vector<1xi32>
    %shift_right_arithmetic3A = arith.constant 7 : i32
    %shift_right_arithmetic3A_4 = arith.shrsi %squeeze3A, %shift_right_arithmetic3A : i32
    %mul3A_5 = arith.constant 128 : i32
    %mul3A_6 = arith.muli %shift_right_arithmetic3A_4, %mul3A_5 : i32
    %multiple_of3A = tpu.assume_multiple %mul3A_6, 128 : i32
    %rem3A = arith.constant 0 : i32
    %rem3A_7 = arith.constant 16 : i32
    %rem3A_8 = arith.remsi %rem3A, %rem3A_7 : i32
    %dma_start3A = arith.constant 0 : i32
    %dma_start3A_9 = arith.constant 0 : i32
    %dma_start3A_10 = tpu.memref_slice %arg7[%rem3A_8, %dma_start3A, %dma_start3A_9] : memref<16x32x128xf32, #tpu.memory_space<vmem>> -> memref<1x32x128xf32, #tpu.memory_space<vmem>>
    %dma_start3A_11 = tpu.memref_squeeze %dma_start3A_10 : memref<1x32x128xf32, #tpu.memory_space<vmem>> -> memref<32x128xf32, #tpu.memory_space<vmem>>
    %dma_start3A_12 = arith.constant 0 : i32
    %dma_start3A_13 = tpu.memref_slice %arg2[%dma_start3A_12, %multiple_of3A] : memref<32x1000000xf32, #tpu.memory_space<hbm>> -> memref<32x128xf32, #tpu.memory_space<hbm>>
    %dma_start3A_14 = arith.constant 0 : i32
    %dma_start3A_15 = arith.constant 0 : i32
    %dma_start3A_16 = tpu.memref_slice %arg7[%rem3A_8, %dma_start3A_14, %dma_start3A_15] : memref<16x32x128xf32, #tpu.memory_space<vmem>> -> memref<1x32x128xf32, #tpu.memory_space<vmem>>
    %dma_start3A_17 = tpu.memref_squeeze %dma_start3A_16 : memref<1x32x128xf32, #tpu.memory_space<vmem>> -> memref<32x128xf32, #tpu.memory_space<vmem>>
    %dma_start3A_18 = arith.constant 0 : i32
    %dma_start3A_19 = tpu.memref_slice %arg2[%dma_start3A_18, %multiple_of3A] : memref<32x1000000xf32, #tpu.memory_space<hbm>> -> memref<32x128xf32, #tpu.memory_space<hbm>>
    tpu.enqueue_dma source(%dma_start3A_19 : memref<32x128xf32, #tpu.memory_space<hbm>>) target(%dma_start3A_17 : memref<32x128xf32, #tpu.memory_space<vmem>>) target_semaphore(%arg8 : memref<!tpu.dma_semaphore, #tpu.memory_space<semaphore_mem>>)
    %get3A_20 = arith.constant 1 : index
    %get3A_21 = tpu.vector_load %arg5[%get3A_20] {strides = array<i32>} : memref<528xi32, #tpu.memory_space<vmem>>, vector<16xi32>,
    %slice3A_22 = vector.extract_strided_slice %get3A_21 {offsets = [0], sizes = [1], strides = [1]} : vector<16xi32> to vector<1xi32>
    %squeeze3A_23 = vector.extract %slice3A_22[0] : i32 from vector<1xi32>
    %shift_right_arithmetic3A_24 = arith.constant 7 : i32
    %shift_right_arithmetic3A_25 = arith.shrsi %squeeze3A_23, %shift_right_arithmetic3A_24 : i32
    %mul3A_26 = arith.constant 128 : i32
    %mul3A_27 = arith.muli %shift_right_arithmetic3A_25, %mul3A_26 : i32
    %multiple_of3A_28 = tpu.assume_multiple %mul3A_27, 128 : i32
    %rem3A_29 = arith.constant 1 : i32
    %rem3A_30 = arith.constant 16 : i32
    %rem3A_31 = arith.remsi %rem3A_29, %rem3A_30 : i32
    %dma_start3A_32 = arith.constant 0 : i32
    %dma_start3A_33 = arith.constant 0 : i32
    %dma_start3A_34 = tpu.memref_slice %arg7[%rem3A_31, %dma_start3A_32, %dma_start3A_33] : memref<16x32x128xf32, #tpu.memory_space<vmem>> -> memref<1x32x128xf32, #tpu.memory_space<vmem>>
    %dma_start3A_35 = tpu.memref_squeeze %dma_start3A_34 : memref<1x32x128xf32, #tpu.memory_space<vmem>> -> memref<32x128xf32, #tpu.memory_space<vmem>>
    %dma_start3A_36 = arith.constant 0 : i32
    %dma_start3A_37 = tpu.memref_slice %arg2[%dma_start3A_36, %multiple_of3A_28] : memref<32x1000000xf32, #tpu.memory_space<hbm>> -> memref<32x128xf32, #tpu.memory_space<hbm>>
    %dma_start3A_38 = arith.constant 0 : i32
    %dma_start3A_39 = arith.constant 0 : i32
    %dma_start3A_40 = tpu.memref_slice %arg7[%rem3A_31, %dma_start3A_38, %dma_start3A_39] : memref<16x32x128xf32, #tpu.memory_space<vmem>> -> memref<1x32x128xf32, #tpu.memory_space<vmem>>
    %dma_start3A_41 = tpu.memref_squeeze %dma_start3A_40 : memref<1x32x128xf32, #tpu.memory_space<vmem>> -> memref<32x128xf32, #tpu.memory_space<vmem>>
    %dma_start3A_42 = arith.constant 0 : i32
    %dma_start3A_43 = tpu.memref_slice %arg2[%dma_start3A_42, %multiple_of3A_28] : memref<32x1000000xf32, #tpu.memory_space<hbm>> -> memref<32x128xf32, #tpu.memory_space<hbm>>
    tpu.enqueue_dma source(%dma_start3A_43 : memref<32x128xf32, #tpu.memory_space<hbm>>) target(%dma_start3A_41 : memref<32x128xf32, #tpu.memory_space<vmem>>) target_semaphore(%arg8 : memref<!tpu.dma_semaphore, #tpu.memory_space<semaphore_mem>>)
    %get3A_44 = arith.constant 2 : index
    %get3A_45 = tpu.vector_load %arg5[%get3A_44] {strides = array<i32>} : memref<528xi32, #tpu.memory_space<vmem>>, vector<16xi32>,
    %slice3A_46 = vector.extract_strided_slice %get3A_45 {offsets = [0], sizes = [1], strides = [1]} : vector<16xi32> to vector<1xi32>
    %squeeze3A_47 = vector.extract %slice3A_46[0] : i32 from vector<1xi32>
    %shift_right_arithmetic3A_48 = arith.constant 7 : i32
    %shift_right_arithmetic3A_49 = arith.shrsi %squeeze3A_47, %shift_right_arithmetic3A_48 : i32
    %mul3A_50 = arith.constant 128 : i32
    %mul3A_51 = arith.muli %shift_right_arithmetic3A_49, %mul3A_50 : i32
    %multiple_of3A_52 = tpu.assume_multiple %mul3A_51, 128 : i32
    %rem3A_53 = arith.constant 2 : i32
    %rem3A_54 = arith.constant 16 : i32
    %rem3A_55 = arith.remsi %rem3A_53, %rem3A_54 : i32
    %dma_start3A_56 = arith.constant 0 : i32
    %dma_start3A_57 = arith.constant 0 : i32
    %dma_start3A_58 = tpu.memref_slice %arg7[%rem3A_55, %dma_start3A_56, %dma_start3A_57] : memref<16x32x128xf32, #tpu.memory_space<vmem>> -> memref<1x32x128xf32, #tpu.memory_space<vmem>>
    %dma_start3A_59 = tpu.memref_squeeze %dma_start3A_58 : memref<1x32x128xf32, #tpu.memory_space<vmem>> -> memref<32x128xf32, #tpu.memory_space<vmem>>
    %dma_start3A_60 = arith.constant 0 : i32
    %dma_start3A_61 = tpu.memref_slice %arg2[%dma_start3A_60, %multiple_of3A_52] : memref<32x1000000xf32, #tpu.memory_space<hbm>> -> memref<32x128xf32, #tpu.memory_space<hbm>>
    %dma_start3A_62 = arith.constant 0 : i32
    %dma_start3A_63 = arith.constant 0 : i32
    %dma_start3A_64 = tpu.memref_slice %arg7[%rem3A_55, %dma_start3A_62, %dma_start3A_63] : memref<16x32x128xf32, #tpu.memory_space<vmem>> -> memref<1x32x128xf32, #tpu.memory_space<vmem>>
    %dma_start3A_65 = tpu.memref_squeeze %dma_start3A_64 : memref<1x32x128xf32, #tpu.memory_space<vmem>> -> memref<32x128xf32, #tpu.memory_space<vmem>>
    %dma_start3A_66 = arith.constant 0 : i32
    %dma_start3A_67 = tpu.memref_slice %arg2[%dma_start3A_66, %multiple_of3A_52] : memref<32x1000000xf32, #tpu.memory_space<hbm>> -> memref<32x128xf32, #tpu.memory_space<hbm>>
    tpu.enqueue_dma source(%dma_start3A_67 : memref<32x128xf32, #tpu.memory_space<hbm>>) target(%dma_start3A_65 : memref<32x128xf32, #tpu.memory_space<vmem>>) target_semaphore(%arg8 : memref<!tpu.dma_semaphore, #tpu.memory_space<semaphore_mem>>)
    %get3A_68 = arith.constant 3 : index
    %get3A_69 = tpu.vector_load %arg5[%get3A_68] {strides = array<i32>} : memref<528xi32, #tpu.memory_space<vmem>>, vector<16xi32>,
    %slice3A_70 = vector.extract_strided_slice %get3A_69 {offsets = [0], sizes = [1], strides = [1]} : vector<16xi32> to vector<1xi32>
    %squeeze3A_71 = vector.extract %slice3A_70[0] : i32 from vector<1xi32>
    %shift_right_arithmetic3A_72 = arith.constant 7 : i32
    %shift_right_arithmetic3A_73 = arith.shrsi %squeeze3A_71, %shift_right_arithmetic3A_72 : i32
    %mul3A_74 = arith.constant 128 : i32
    %mul3A_75 = arith.muli %shift_right_arithmetic3A_73, %mul3A_74 : i32
    %multiple_of3A_76 = tpu.assume_multiple %mul3A_75, 128 : i32
    %rem3A_77 = arith.constant 3 : i32
    %rem3A_78 = arith.constant 16 : i32
    %rem3A_79 = arith.remsi %rem3A_77, %rem3A_78 : i32
    %dma_start3A_80 = arith.constant 0 : i32
    %dma_start3A_81 = arith.constant 0 : i32
    %dma_start3A_82 = tpu.memref_slice %arg7[%rem3A_79, %dma_start3A_80, %dma_start3A_81] : memref<16x32x128xf32, #tpu.memory_space<vmem>> -> memref<1x32x128xf32, #tpu.memory_space<vmem>>
    %dma_start3A_83 = tpu.memref_squeeze %dma_start3A_82 : memref<1x32x128xf32, #tpu.memory_space<vmem>> -> memref<32x128xf32, #tpu.memory_space<vmem>>
    %dma_start3A_84 = arith.constant 0 : i32
    %dma_start3A_85 = tpu.memref_slice %arg2[%dma_start3A_84, %multiple_of3A_76] : memref<32x1000000xf32, #tpu.memory_space<hbm>> -> memref<32x128xf32, #tpu.memory_space<hbm>>
    %dma_start3A_86 = arith.constant 0 : i32
    %dma_start3A_87 = arith.constant 0 : i32
    %dma_start3A_88 = tpu.memref_slice %arg7[%rem3A_79, %dma_start3A_86, %dma_start3A_87] : memref<16x32x128xf32, #tpu.memory_space<vmem>> -> memref<1x32x128xf32, #tpu.memory_space<vmem>>
    %dma_start3A_89 = tpu.memref_squeeze %dma_start3A_88 : memref<1x32x128xf32, #tpu.memory_space<vmem>> -> memref<32x128xf32, #tpu.memory_space<vmem>>
    %dma_start3A_90 = arith.constant 0 : i32
    %dma_start3A_91 = tpu.memref_slice %arg2[%dma_start3A_90, %multiple_of3A_76] : memref<32x1000000xf32, #tpu.memory_space<hbm>> -> memref<32x128xf32, #tpu.memory_space<hbm>>
    tpu.enqueue_dma source(%dma_start3A_91 : memref<32x128xf32, #tpu.memory_space<hbm>>) target(%dma_start3A_89 : memref<32x128xf32, #tpu.memory_space<vmem>>) target_semaphore(%arg8 : memref<!tpu.dma_semaphore, #tpu.memory_space<semaphore_mem>>)
    %get3A_92 = arith.constant 4 : index
    %get3A_93 = tpu.vector_load %arg5[%get3A_92] {strides = array<i32>} : memref<528xi32, #tpu.memory_space<vmem>>, vector<16xi32>,
    %slice3A_94 = vector.extract_strided_slice %get3A_93 {offsets = [0], sizes = [1], strides = [1]} : vector<16xi32> to vector<1xi32>
    %squeeze3A_95 = vector.extract %slice3A_94[0] : i32 from vector<1xi32>
    %shift_right_arithmetic3A_96 = arith.constant 7 : i32
    %shift_right_arithmetic3A_97 = arith.shrsi %squeeze3A_95, %shift_right_arithmetic3A_96 : i32
    %mul3A_98 = arith.constant 128 : i32
    %mul3A_99 = arith.muli %shift_right_arithmetic3A_97, %mul3A_98 : i32
    %multiple_of3A_100 = tpu.assume_multiple %mul3A_99, 128 : i32
    %rem3A_101 = arith.constant 4 : i32
    %rem3A_102 = arith.constant 16 : i32
    %rem3A_103 = arith.remsi %rem3A_101, %rem3A_102 : i32
    %dma_start3A_104 = arith.constant 0 : i32
    %dma_start3A_105 = arith.constant 0 : i32
    %dma_start3A_106 = tpu.memref_slice %arg7[%rem3A_103, %dma_start3A_104, %dma_start3A_105] : memref<16x32x128xf32, #tpu.memory_space<vmem>> -> memref<1x32x128xf32, #tpu.memory_space<vmem>>
    %dma_start3A_107 = tpu.memref_squeeze %dma_start3A_106 : memref<1x32x128xf32, #tpu.memory_space<vmem>> -> memref<32x128xf32, #tpu.memory_space<vmem>>
    %dma_start3A_108 = arith.constant 0 : i32
    %dma_start3A_109 = tpu.memref_slice %arg2[%dma_start3A_108, %multiple_of3A_100] : memref<32x1000000xf32, #tpu.memory_space<hbm>> -> memref<32x128xf32, #tpu.memory_space<hbm>>
    %dma_start3A_110 = arith.constant 0 : i32
    %dma_start3A_111 = arith.constant 0 : i32
    %dma_start3A_112 = tpu.memref_slice %arg7[%rem3A_103, %dma_start3A_110, %dma_start3A_111] : memref<16x32x128xf32, #tpu.memory_space<vmem>> -> memref<1x32x128xf32, #tpu.memory_space<vmem>>
    %dma_start3A_113 = tpu.memref_squeeze %dma_start3A_112 : memref<1x32x128xf32, #tpu.memory_space<vmem>> -> memref<32x128xf32, #tpu.memory_space<vmem>>
    %dma_start3A_114 = arith.constant 0 : i32
    %dma_start3A_115 = tpu.memref_slice %arg2[%dma_start3A_114, %multiple_of3A_100] : memref<32x1000000xf32, #tpu.memory_space<hbm>> -> memref<32x128xf32, #tpu.memory_space<hbm>>
    tpu.enqueue_dma source(%dma_start3A_115 : memref<32x128xf32, #tpu.memory_space<hbm>>) target(%dma_start3A_113 : memref<32x128xf32, #tpu.memory_space<vmem>>) target_semaphore(%arg8 : memref<!tpu.dma_semaphore, #tpu.memory_space<semaphore_mem>>)
    %get3A_116 = arith.constant 5 : index
    %get3A_117 = tpu.vector_load %arg5[%get3A_116] {strides = array<i32>} : memref<528xi32, #tpu.memory_space<vmem>>, vector<16xi32>,
    %slice3A_118 = vector.extract_strided_slice %get3A_117 {offsets = [0], sizes = [1], strides = [1]} : vector<16xi32> to vector<1xi32>
    %squeeze3A_119 = vector.extract %slice3A_118[0] : i32 from vector<1xi32>
    %shift_right_arithmetic3A_120 = arith.constant 7 : i32
    %shift_right_arithmetic3A_121 = arith.shrsi %squeeze3A_119, %shift_right_arithmetic3A_120 : i32
    %mul3A_122 = arith.constant 128 : i32
    %mul3A_123 = arith.muli %shift_right_arithmetic3A_121, %mul3A_122 : i32
    %multiple_of3A_124 = tpu.assume_multiple %mul3A_123, 128 : i32
    %rem3A_125 = arith.constant 5 : i32
    %rem3A_126 = arith.constant 16 : i32
    %rem3A_127 = arith.remsi %rem3A_125, %rem3A_126 : i32
    %dma_start3A_128 = arith.constant 0 : i32
    %dma_start3A_129 = arith.constant 0 : i32
    %dma_start3A_130 = tpu.memref_slice %arg7[%rem3A_127, %dma_start3A_128, %dma_start3A_129] : memref<16x32x128xf32, #tpu.memory_space<vmem>> -> memref<1x32x128xf32, #tpu.memory_space<vmem>>
    %dma_start3A_131 = tpu.memref_squeeze %dma_start3A_130 : memref<1x32x128xf32, #tpu.memory_space<vmem>> -> memref<32x128xf32, #tpu.memory_space<vmem>>
    %dma_start3A_132 = arith.constant 0 : i32
    %dma_start3A_133 = tpu.memref_slice %arg2[%dma_start3A_132, %multiple_of3A_124] : memref<32x1000000xf32, #tpu.memory_space<hbm>> -> memref<32x128xf32, #tpu.memory_space<hbm>>
    %dma_start3A_134 = arith.constant 0 : i32
    %dma_start3A_135 = arith.constant 0 : i32
    %dma_start3A_136 = tpu.memref_slice %arg7[%rem3A_127, %dma_start3A_134, %dma_start3A_135] : memref<16x32x128xf32, #tpu.memory_space<vmem>> -> memref<1x32x128xf32, #tpu.memory_space<vmem>>
    %dma_start3A_137 = tpu.memref_squeeze %dma_start3A_136 : memref<1x32x128xf32, #tpu.memory_space<vmem>> -> memref<32x128xf32, #tpu.memory_space<vmem>>
    %dma_start3A_138 = arith.constant 0 : i32
    %dma_start3A_139 = tpu.memref_slice %arg2[%dma_start3A_138, %multiple_of3A_124] : memref<32x1000000xf32, #tpu.memory_space<hbm>> -> memref<32x128xf32, #tpu.memory_space<hbm>>
    tpu.enqueue_dma source(%dma_start3A_139 : memref<32x128xf32, #tpu.memory_space<hbm>>) target(%dma_start3A_137 : memref<32x128xf32, #tpu.memory_space<vmem>>) target_semaphore(%arg8 : memref<!tpu.dma_semaphore, #tpu.memory_space<semaphore_mem>>)
    %get3A_140 = arith.constant 6 : index
    %get3A_141 = tpu.vector_load %arg5[%get3A_140] {strides = array<i32>} : memref<528xi32, #tpu.memory_space<vmem>>, vector<16xi32>,
    %slice3A_142 = vector.extract_strided_slice %get3A_141 {offsets = [0], sizes = [1], strides = [1]} : vector<16xi32> to vector<1xi32>
    %squeeze3A_143 = vector.extract %slice3A_142[0] : i32 from vector<1xi32>
    %shift_right_arithmetic3A_144 = arith.constant 7 : i32
    %shift_right_arithmetic3A_145 = arith.shrsi %squeeze3A_143, %shift_right_arithmetic3A_144 : i32
    %mul3A_146 = arith.constant 128 : i32
    %mul3A_147 = arith.muli %shift_right_arithmetic3A_145, %mul3A_146 : i32
    %multiple_of3A_148 = tpu.assume_multiple %mul3A_147, 128 : i32
    %rem3A_149 = arith.constant 6 : i32
    %rem3A_150 = arith.constant 16 : i32
    %rem3A_151 = arith.remsi %rem3A_149, %rem3A_150 : i32
    %dma_start3A_152 = arith.constant 0 : i32
    %dma_start3A_153 = arith.constant 0 : i32
    %dma_start3A_154 = tpu.memref_slice %arg7[%rem3A_151, %dma_start3A_152, %dma_start3A_153] : memref<16x32x128xf32, #tpu.memory_space<vmem>> -> memref<1x32x128xf32, #tpu.memory_space<vmem>>
    %dma_start3A_155 = tpu.memref_squeeze %dma_start3A_154 : memref<1x32x128xf32, #tpu.memory_space<vmem>> -> memref<32x128xf32, #tpu.memory_space<vmem>>
    %dma_start3A_156 = arith.constant 0 : i32
    %dma_start3A_157 = tpu.memref_slice %arg2[%dma_start3A_156, %multiple_of3A_148] : memref<32x1000000xf32, #tpu.memory_space<hbm>> -> memref<32x128xf32, #tpu.memory_space<hbm>>
    %dma_start3A_158 = arith.constant 0 : i32
    %dma_start3A_159 = arith.constant 0 : i32
    %dma_start3A_160 = tpu.memref_slice %arg7[%rem3A_151, %dma_start3A_158, %dma_start3A_159] : memref<16x32x128xf32, #tpu.memory_space<vmem>> -> memref<1x32x128xf32, #tpu.memory_space<vmem>>
    %dma_start3A_161 = tpu.memref_squeeze %dma_start3A_160 : memref<1x32x128xf32, #tpu.memory_space<vmem>> -> memref<32x128xf32, #tpu.memory_space<vmem>>
    %dma_start3A_162 = arith.constant 0 : i32
    %dma_start3A_163 = tpu.memref_slice %arg2[%dma_start3A_162, %multiple_of3A_148] : memref<32x1000000xf32, #tpu.memory_space<hbm>> -> memref<32x128xf32, #tpu.memory_space<hbm>>
    tpu.enqueue_dma source(%dma_start3A_163 : memref<32x128xf32, #tpu.memory_space<hbm>>) target(%dma_start3A_161 : memref<32x128xf32, #tpu.memory_space<vmem>>) target_semaphore(%arg8 : memref<!tpu.dma_semaphore, #tpu.memory_space<semaphore_mem>>)
    %get3A_164 = arith.constant 7 : index
    %get3A_165 = tpu.vector_load %arg5[%get3A_164] {strides = array<i32>} : memref<528xi32, #tpu.memory_space<vmem>>, vector<16xi32>,
    %slice3A_166 = vector.extract_strided_slice %get3A_165 {offsets = [0], sizes = [1], strides = [1]} : vector<16xi32> to vector<1xi32>
    %squeeze3A_167 = vector.extract %slice3A_166[0] : i32 from vector<1xi32>
    %shift_right_arithmetic3A_168 = arith.constant 7 : i32
    %shift_right_arithmetic3A_169 = arith.shrsi %squeeze3A_167, %shift_right_arithmetic3A_168 : i32
    %mul3A_170 = arith.constant 128 : i32
    %mul3A_171 = arith.muli %shift_right_arithmetic3A_169, %mul3A_170 : i32
    %multiple_of3A_172 = tpu.assume_multiple %mul3A_171, 128 : i32
    %rem3A_173 = arith.constant 7 : i32
    %rem3A_174 = arith.constant 16 : i32
    %rem3A_175 = arith.remsi %rem3A_173, %rem3A_174 : i32
    %dma_start3A_176 = arith.constant 0 : i32
    %dma_start3A_177 = arith.constant 0 : i32
    %dma_start3A_178 = tpu.memref_slice %arg7[%rem3A_175, %dma_start3A_176, %dma_start3A_177] : memref<16x32x128xf32, #tpu.memory_space<vmem>> -> memref<1x32x128xf32, #tpu.memory_space<vmem>>
    %dma_start3A_179 = tpu.memref_squeeze %dma_start3A_178 : memref<1x32x128xf32, #tpu.memory_space<vmem>> -> memref<32x128xf32, #tpu.memory_space<vmem>>
    %dma_start3A_180 = arith.constant 0 : i32
    %dma_start3A_181 = tpu.memref_slice %arg2[%dma_start3A_180, %multiple_of3A_172] : memref<32x1000000xf32, #tpu.memory_space<hbm>> -> memref<32x128xf32, #tpu.memory_space<hbm>>
    %dma_start3A_182 = arith.constant 0 : i32
    %dma_start3A_183 = arith.constant 0 : i32
    %dma_start3A_184 = tpu.memref_slice %arg7[%rem3A_175, %dma_start3A_182, %dma_start3A_183] : memref<16x32x128xf32, #tpu.memory_space<vmem>> -> memref<1x32x128xf32, #tpu.memory_space<vmem>>
    %dma_start3A_185 = tpu.memref_squeeze %dma_start3A_184 : memref<1x32x128xf32, #tpu.memory_space<vmem>> -> memref<32x128xf32, #tpu.memory_space<vmem>>
    %dma_start3A_186 = arith.constant 0 : i32
    %dma_start3A_187 = tpu.memref_slice %arg2[%dma_start3A_186, %multiple_of3A_172] : memref<32x1000000xf32, #tpu.memory_space<hbm>> -> memref<32x128xf32, #tpu.memory_space<hbm>>
    tpu.enqueue_dma source(%dma_start3A_187 : memref<32x128xf32, #tpu.memory_space<hbm>>) target(%dma_start3A_185 : memref<32x128xf32, #tpu.memory_space<vmem>>) target_semaphore(%arg8 : memref<!tpu.dma_semaphore, #tpu.memory_space<semaphore_mem>>)
    %get3A_188 = arith.constant 8 : index
    %get3A_189 = tpu.vector_load %arg5[%get3A_188] {strides = array<i32>} : memref<528xi32, #tpu.memory_space<vmem>>, vector<16xi32>,
    %slice3A_190 = vector.extract_strided_slice %get3A_189 {offsets = [0], sizes = [1], strides = [1]} : vector<16xi32> to vector<1xi32>
    %squeeze3A_191 = vector.extract %slice3A_190[0] : i32 from vector<1xi32>
    %shift_right_arithmetic3A_192 = arith.constant 7 : i32
    %shift_right_arithmetic3A_193 = arith.shrsi %squeeze3A_191, %shift_right_arithmetic3A_192 : i32
    %mul3A_194 = arith.constant 128 : i32
    %mul3A_195 = arith.muli %shift_right_arithmetic3A_193, %mul3A_194 : i32
    %multiple_of3A_196 = tpu.assume_multiple %mul3A_195, 128 : i32
    %rem3A_197 = arith.constant 8 : i32
    %rem3A_198 = arith.constant 16 : i32
    %rem3A_199 = arith.remsi %rem3A_197, %rem3A_198 : i32
    %dma_start3A_200 = arith.constant 0 : i32
    %dma_start3A_201 = arith.constant 0 : i32
    %dma_start3A_202 = tpu.memref_slice %arg7[%rem3A_199, %dma_start3A_200, %dma_start3A_201] : memref<16x32x128xf32, #tpu.memory_space<vmem>> -> memref<1x32x128xf32, #tpu.memory_space<vmem>>
    %dma_start3A_203 = tpu.memref_squeeze %dma_start3A_202 : memref<1x32x128xf32, #tpu.memory_space<vmem>> -> memref<32x128xf32, #tpu.memory_space<vmem>>
    %dma_start3A_204 = arith.constant 0 : i32
    %dma_start3A_205 = tpu.memref_slice %arg2[%dma_start3A_204, %multiple_of3A_196] : memref<32x1000000xf32, #tpu.memory_space<hbm>> -> memref<32x128xf32, #tpu.memory_space<hbm>>
    %dma_start3A_206 = arith.constant 0 : i32
    %dma_start3A_207 = arith.constant 0 : i32
    %dma_start3A_208 = tpu.memref_slice %arg7[%rem3A_199, %dma_start3A_206, %dma_start3A_207] : memref<16x32x128xf32, #tpu.memory_space<vmem>> -> memref<1x32x128xf32, #tpu.memory_space<vmem>>
    %dma_start3A_209 = tpu.memref_squeeze %dma_start3A_208 : memref<1x32x128xf32, #tpu.memory_space<vmem>> -> memref<32x128xf32, #tpu.memory_space<vmem>>
    %dma_start3A_210 = arith.constant 0 : i32
    %dma_start3A_211 = tpu.memref_slice %arg2[%dma_start3A_210, %multiple_of3A_196] : memref<32x1000000xf32, #tpu.memory_space<hbm>> -> memref<32x128xf32, #tpu.memory_space<hbm>>
    tpu.enqueue_dma source(%dma_start3A_211 : memref<32x128xf32, #tpu.memory_space<hbm>>) target(%dma_start3A_209 : memref<32x128xf32, #tpu.memory_space<vmem>>) target_semaphore(%arg8 : memref<!tpu.dma_semaphore, #tpu.memory_space<semaphore_mem>>)
    %get3A_212 = arith.constant 9 : index
    %get3A_213 = tpu.vector_load %arg5[%get3A_212] {strides = array<i32>} : memref<528xi32, #tpu.memory_space<vmem>>, vector<16xi32>,
    %slice3A_214 = vector.extract_strided_slice %get3A_213 {offsets = [0], sizes = [1], strides = [1]} : vector<16xi32> to vector<1xi32>
    %squeeze3A_215 = vector.extract %slice3A_214[0] : i32 from vector<1xi32>
    %shift_right_arithmetic3A_216 = arith.constant 7 : i32
    %shift_right_arithmetic3A_217 = arith.shrsi %squeeze3A_215, %shift_right_arithmetic3A_216 : i32
    %mul3A_218 = arith.constant 128 : i32
    %mul3A_219 = arith.muli %shift_right_arithmetic3A_217, %mul3A_218 : i32
    %multiple_of3A_220 = tpu.assume_multiple %mul3A_219, 128 : i32
    %rem3A_221 = arith.constant 9 : i32
    %rem3A_222 = arith.constant 16 : i32
    %rem3A_223 = arith.remsi %rem3A_221, %rem3A_222 : i32
    %dma_start3A_224 = arith.constant 0 : i32
    %dma_start3A_225 = arith.constant 0 : i32
    %dma_start3A_226 = tpu.memref_slice %arg7[%rem3A_223, %dma_start3A_224, %dma_start3A_225] : memref<16x32x128xf32, #tpu.memory_space<vmem>> -> memref<1x32x128xf32, #tpu.memory_space<vmem>>
    %dma_start3A_227 = tpu.memref_squeeze %dma_start3A_226 : memref<1x32x128xf32, #tpu.memory_space<vmem>> -> memref<32x128xf32, #tpu.memory_space<vmem>>
    %dma_start3A_228 = arith.constant 0 : i32
    %dma_start3A_229 = tpu.memref_slice %arg2[%dma_start3A_228, %multiple_of3A_220] : memref<32x1000000xf32, #tpu.memory_space<hbm>> -> memref<32x128xf32, #tpu.memory_space<hbm>>
    %dma_start3A_230 = arith.constant 0 : i32
    %dma_start3A_231 = arith.constant 0 : i32
    %dma_start3A_232 = tpu.memref_slice %arg7[%rem3A_223, %dma_start3A_230, %dma_start3A_231] : memref<16x32x128xf32, #tpu.memory_space<vmem>> -> memref<1x32x128xf32, #tpu.memory_space<vmem>>
    %dma_start3A_233 = tpu.memref_squeeze %dma_start3A_232 : memref<1x32x128xf32, #tpu.memory_space<vmem>> -> memref<32x128xf32, #tpu.memory_space<vmem>>
    %dma_start3A_234 = arith.constant 0 : i32
    %dma_start3A_235 = tpu.memref_slice %arg2[%dma_start3A_234, %multiple_of3A_220] : memref<32x1000000xf32, #tpu.memory_space<hbm>> -> memref<32x128xf32, #tpu.memory_space<hbm>>
    tpu.enqueue_dma source(%dma_start3A_235 : memref<32x128xf32, #tpu.memory_space<hbm>>) target(%dma_start3A_233 : memref<32x128xf32, #tpu.memory_space<vmem>>) target_semaphore(%arg8 : memref<!tpu.dma_semaphore, #tpu.memory_space<semaphore_mem>>)
    %get3A_236 = arith.constant 10 : index
    %get3A_237 = tpu.vector_load %arg5[%get3A_236] {strides = array<i32>} : memref<528xi32, #tpu.memory_space<vmem>>, vector<16xi32>,
    %slice3A_238 = vector.extract_strided_slice %get3A_237 {offsets = [0], sizes = [1], strides = [1]} : vector<16xi32> to vector<1xi32>
    %squeeze3A_239 = vector.extract %slice3A_238[0] : i32 from vector<1xi32>
    %shift_right_arithmetic3A_240 = arith.constant 7 : i32
    %shift_right_arithmetic3A_241 = arith.shrsi %squeeze3A_239, %shift_right_arithmetic3A_240 : i32
    %mul3A_242 = arith.constant 128 : i32
    %mul3A_243 = arith.muli %shift_right_arithmetic3A_241, %mul3A_242 : i32
    %multiple_of3A_244 = tpu.assume_multiple %mul3A_243, 128 : i32
    %rem3A_245 = arith.constant 10 : i32
    %rem3A_246 = arith.constant 16 : i32
    %rem3A_247 = arith.remsi %rem3A_245, %rem3A_246 : i32
    %dma_start3A_248 = arith.constant 0 : i32
    %dma_start3A_249 = arith.constant 0 : i32
    %dma_start3A_250 = tpu.memref_slice %arg7[%rem3A_247, %dma_start3A_248, %dma_start3A_249] : memref<16x32x128xf32, #tpu.memory_space<vmem>> -> memref<1x32x128xf32, #tpu.memory_space<vmem>>
    %dma_start3A_251 = tpu.memref_squeeze %dma_start3A_250 : memref<1x32x128xf32, #tpu.memory_space<vmem>> -> memref<32x128xf32, #tpu.memory_space<vmem>>
    %dma_start3A_252 = arith.constant 0 : i32
    %dma_start3A_253 = tpu.memref_slice %arg2[%dma_start3A_252, %multiple_of3A_244] : memref<32x1000000xf32, #tpu.memory_space<hbm>> -> memref<32x128xf32, #tpu.memory_space<hbm>>
    %dma_start3A_254 = arith.constant 0 : i32
    %dma_start3A_255 = arith.constant 0 : i32
    %dma_start3A_256 = tpu.memref_slice %arg7[%rem3A_247, %dma_start3A_254, %dma_start3A_255] : memref<16x32x128xf32, #tpu.memory_space<vmem>> -> memref<1x32x128xf32, #tpu.memory_space<vmem>>
    %dma_start3A_257 = tpu.memref_squeeze %dma_start3A_256 : memref<1x32x128xf32, #tpu.memory_space<vmem>> -> memref<32x128xf32, #tpu.memory_space<vmem>>
    %dma_start3A_258 = arith.constant 0 : i32
    %dma_start3A_259 = tpu.memref_slice %arg2[%dma_start3A_258, %multiple_of3A_244] : memref<32x1000000xf32, #tpu.memory_space<hbm>> -> memref<32x128xf32, #tpu.memory_space<hbm>>
    tpu.enqueue_dma source(%dma_start3A_259 : memref<32x128xf32, #tpu.memory_space<hbm>>) target(%dma_start3A_257 : memref<32x128xf32, #tpu.memory_space<vmem>>) target_semaphore(%arg8 : memref<!tpu.dma_semaphore, #tpu.memory_space<semaphore_mem>>)
    %get3A_260 = arith.constant 11 : index
    %get3A_261 = tpu.vector_load %arg5[%get3A_260] {strides = array<i32>} : memref<528xi32, #tpu.memory_space<vmem>>, vector<16xi32>,
    %slice3A_262 = vector.extract_strided_slice %get3A_261 {offsets = [0], sizes = [1], strides = [1]} : vector<16xi32> to vector<1xi32>
    %squeeze3A_263 = vector.extract %slice3A_262[0] : i32 from vector<1xi32>
    %shift_right_arithmetic3A_264 = arith.constant 7 : i32
    %shift_right_arithmetic3A_265 = arith.shrsi %squeeze3A_263, %shift_right_arithmetic3A_264 : i32
    %mul3A_266 = arith.constant 128 : i32
    %mul3A_267 = arith.muli %shift_right_arithmetic3A_265, %mul3A_266 : i32
    %multiple_of3A_268 = tpu.assume_multiple %mul3A_267, 128 : i32
    %rem3A_269 = arith.constant 11 : i32
    %rem3A_270 = arith.constant 16 : i32
    %rem3A_271 = arith.remsi %rem3A_269, %rem3A_270 : i32
    %dma_start3A_272 = arith.constant 0 : i32
    %dma_start3A_273 = arith.constant 0 : i32
    %dma_start3A_274 = tpu.memref_slice %arg7[%rem3A_271, %dma_start3A_272, %dma_start3A_273] : memref<16x32x128xf32, #tpu.memory_space<vmem>> -> memref<1x32x128xf32, #tpu.memory_space<vmem>>
    %dma_start3A_275 = tpu.memref_squeeze %dma_start3A_274 : memref<1x32x128xf32, #tpu.memory_space<vmem>> -> memref<32x128xf32, #tpu.memory_space<vmem>>
    %dma_start3A_276 = arith.constant 0 : i32
    %dma_start3A_277 = tpu.memref_slice %arg2[%dma_start3A_276, %multiple_of3A_268] : memref<32x1000000xf32, #tpu.memory_space<hbm>> -> memref<32x128xf32, #tpu.memory_space<hbm>>
    %dma_start3A_278 = arith.constant 0 : i32
    %dma_start3A_279 = arith.constant 0 : i32
    %dma_start3A_280 = tpu.memref_slice %arg7[%rem3A_271, %dma_start3A_278, %dma_start3A_279] : memref<16x32x128xf32, #tpu.memory_space<vmem>> -> memref<1x32x128xf32, #tpu.memory_space<vmem>>
    %dma_start3A_281 = tpu.memref_squeeze %dma_start3A_280 : memref<1x32x128xf32, #tpu.memory_space<vmem>> -> memref<32x128xf32, #tpu.memory_space<vmem>>
    %dma_start3A_282 = arith.constant 0 : i32
    %dma_start3A_283 = tpu.memref_slice %arg2[%dma_start3A_282, %multiple_of3A_268] : memref<32x1000000xf32, #tpu.memory_space<hbm>> -> memref<32x128xf32, #tpu.memory_space<hbm>>
    tpu.enqueue_dma source(%dma_start3A_283 : memref<32x128xf32, #tpu.memory_space<hbm>>) target(%dma_start3A_281 : memref<32x128xf32, #tpu.memory_space<vmem>>) target_semaphore(%arg8 : memref<!tpu.dma_semaphore, #tpu.memory_space<semaphore_mem>>)
    %get3A_284 = arith.constant 12 : index
    %get3A_285 = tpu.vector_load %arg5[%get3A_284] {strides = array<i32>} : memref<528xi32, #tpu.memory_space<vmem>>, vector<16xi32>,
    %slice3A_286 = vector.extract_strided_slice %get3A_285 {offsets = [0], sizes = [1], strides = [1]} : vector<16xi32> to vector<1xi32>
    %squeeze3A_287 = vector.extract %slice3A_286[0] : i32 from vector<1xi32>
    %shift_right_arithmetic3A_288 = arith.constant 7 : i32
    %shift_right_arithmetic3A_289 = arith.shrsi %squeeze3A_287, %shift_right_arithmetic3A_288 : i32
    %mul3A_290 = arith.constant 128 : i32
    %mul3A_291 = arith.muli %shift_right_arithmetic3A_289, %mul3A_290 : i32
    %multiple_of3A_292 = tpu.assume_multiple %mul3A_291, 128 : i32
    %rem3A_293 = arith.constant 12 : i32
    %rem3A_294 = arith.constant 16 : i32
    %rem3A_295 = arith.remsi %rem3A_293, %rem3A_294 : i32
    %dma_start3A_296 = arith.constant 0 : i32
    %dma_start3A_297 = arith.constant 0 : i32
    %dma_start3A_298 = tpu.memref_slice %arg7[%rem3A_295, %dma_start3A_296, %dma_start3A_297] : memref<16x32x128xf32, #tpu.memory_space<vmem>> -> memref<1x32x128xf32, #tpu.memory_space<vmem>>
    %dma_start3A_299 = tpu.memref_squeeze %dma_start3A_298 : memref<1x32x128xf32, #tpu.memory_space<vmem>> -> memref<32x128xf32, #tpu.memory_space<vmem>>
    %dma_start3A_300 = arith.constant 0 : i32
    %dma_start3A_301 = tpu.memref_slice %arg2[%dma_start3A_300, %multiple_of3A_292] : memref<32x1000000xf32, #tpu.memory_space<hbm>> -> memref<32x128xf32, #tpu.memory_space<hbm>>
    %dma_start3A_302 = arith.constant 0 : i32
    %dma_start3A_303 = arith.constant 0 : i32
    %dma_start3A_304 = tpu.memref_slice %arg7[%rem3A_295, %dma_start3A_302, %dma_start3A_303] : memref<16x32x128xf32, #tpu.memory_space<vmem>> -> memref<1x32x128xf32, #tpu.memory_space<vmem>>
    %dma_start3A_305 = tpu.memref_squeeze %dma_start3A_304 : memref<1x32x128xf32, #tpu.memory_space<vmem>> -> memref<32x128xf32, #tpu.memory_space<vmem>>
    %dma_start3A_306 = arith.constant 0 : i32
    %dma_start3A_307 = tpu.memref_slice %arg2[%dma_start3A_306, %multiple_of3A_292] : memref<32x1000000xf32, #tpu.memory_space<hbm>> -> memref<32x128xf32, #tpu.memory_space<hbm>>
    tpu.enqueue_dma source(%dma_start3A_307 : memref<32x128xf32, #tpu.memory_space<hbm>>) target(%dma_start3A_305 : memref<32x128xf32, #tpu.memory_space<vmem>>) target_semaphore(%arg8 : memref<!tpu.dma_semaphore, #tpu.memory_space<semaphore_mem>>)
    %get3A_308 = arith.constant 13 : index
    %get3A_309 = tpu.vector_load %arg5[%get3A_308] {strides = array<i32>} : memref<528xi32, #tpu.memory_space<vmem>>, vector<16xi32>,
    %slice3A_310 = vector.extract_strided_slice %get3A_309 {offsets = [0], sizes = [1], strides = [1]} : vector<16xi32> to vector<1xi32>
    %squeeze3A_311 = vector.extract %slice3A_310[0] : i32 from vector<1xi32>
    %shift_right_arithmetic3A_312 = arith.constant 7 : i32
    %shift_right_arithmetic3A_313 = arith.shrsi %squeeze3A_311, %shift_right_arithmetic3A_312 : i32
    %mul3A_314 = arith.constant 128 : i32
    %mul3A_315 = arith.muli %shift_right_arithmetic3A_313, %mul3A_314 : i32
    %multiple_of3A_316 = tpu.assume_multiple %mul3A_315, 128 : i32
    %rem3A_317 = arith.constant 13 : i32
    %rem3A_318 = arith.constant 16 : i32
    %rem3A_319 = arith.remsi %rem3A_317, %rem3A_318 : i32
    %dma_start3A_320 = arith.constant 0 : i32
    %dma_start3A_321 = arith.constant 0 : i32
    %dma_start3A_322 = tpu.memref_slice %arg7[%rem3A_319, %dma_start3A_320, %dma_start3A_321] : memref<16x32x128xf32, #tpu.memory_space<vmem>> -> memref<1x32x128xf32, #tpu.memory_space<vmem>>
    %dma_start3A_323 = tpu.memref_squeeze %dma_start3A_322 : memref<1x32x128xf32, #tpu.memory_space<vmem>> -> memref<32x128xf32, #tpu.memory_space<vmem>>
    %dma_start3A_324 = arith.constant 0 : i32
    %dma_start3A_325 = tpu.memref_slice %arg2[%dma_start3A_324, %multiple_of3A_316] : memref<32x1000000xf32, #tpu.memory_space<hbm>> -> memref<32x128xf32, #tpu.memory_space<hbm>>
    %dma_start3A_326 = arith.constant 0 : i32
    %dma_start3A_327 = arith.constant 0 : i32
    %dma_start3A_328 = tpu.memref_slice %arg7[%rem3A_319, %dma_start3A_326, %dma_start3A_327] : memref<16x32x128xf32, #tpu.memory_space<vmem>> -> memref<1x32x128xf32, #tpu.memory_space<vmem>>
    %dma_start3A_329 = tpu.memref_squeeze %dma_start3A_328 : memref<1x32x128xf32, #tpu.memory_space<vmem>> -> memref<32x128xf32, #tpu.memory_space<vmem>>
    %dma_start3A_330 = arith.constant 0 : i32
    %dma_start3A_331 = tpu.memref_slice %arg2[%dma_start3A_330, %multiple_of3A_316] : memref<32x1000000xf32, #tpu.memory_space<hbm>> -> memref<32x128xf32, #tpu.memory_space<hbm>>
    tpu.enqueue_dma source(%dma_start3A_331 : memref<32x128xf32, #tpu.memory_space<hbm>>) target(%dma_start3A_329 : memref<32x128xf32, #tpu.memory_space<vmem>>) target_semaphore(%arg8 : memref<!tpu.dma_semaphore, #tpu.memory_space<semaphore_mem>>)
    %get3A_332 = arith.constant 14 : index
    %get3A_333 = tpu.vector_load %arg5[%get3A_332] {strides = array<i32>} : memref<528xi32, #tpu.memory_space<vmem>>, vector<16xi32>,
    %slice3A_334 = vector.extract_strided_slice %get3A_333 {offsets = [0], sizes = [1], strides = [1]} : vector<16xi32> to vector<1xi32>
    %squeeze3A_335 = vector.extract %slice3A_334[0] : i32 from vector<1xi32>
    %shift_right_arithmetic3A_336 = arith.constant 7 : i32
    %shift_right_arithmetic3A_337 = arith.shrsi %squeeze3A_335, %shift_right_arithmetic3A_336 : i32
    %mul3A_338 = arith.constant 128 : i32
    %mul3A_339 = arith.muli %shift_right_arithmetic3A_337, %mul3A_338 : i32
    %multiple_of3A_340 = tpu.assume_multiple %mul3A_339, 128 : i32
    %rem3A_341 = arith.constant 14 : i32
    %rem3A_342 = arith.constant 16 : i32
    %rem3A_343 = arith.remsi %rem3A_341, %rem3A_342 : i32
    %dma_start3A_344 = arith.constant 0 : i32
    %dma_start3A_345 = arith.constant 0 : i32
    %dma_start3A_346 = tpu.memref_slice %arg7[%rem3A_343, %dma_start3A_344, %dma_start3A_345] : memref<16x32x128xf32, #tpu.memory_space<vmem>> -> memref<1x32x128xf32, #tpu.memory_space<vmem>>
    %dma_start3A_347 = tpu.memref_squeeze %dma_start3A_346 : memref<1x32x128xf32, #tpu.memory_space<vmem>> -> memref<32x128xf32, #tpu.memory_space<vmem>>
    %dma_start3A_348 = arith.constant 0 : i32
    %dma_start3A_349 = tpu.memref_slice %arg2[%dma_start3A_348, %multiple_of3A_340] : memref<32x1000000xf32, #tpu.memory_space<hbm>> -> memref<32x128xf32, #tpu.memory_space<hbm>>
    %dma_start3A_350 = arith.constant 0 : i32
    %dma_start3A_351 = arith.constant 0 : i32
    %dma_start3A_352 = tpu.memref_slice %arg7[%rem3A_343, %dma_start3A_350, %dma_start3A_351] : memref<16x32x128xf32, #tpu.memory_space<vmem>> -> memref<1x32x128xf32, #tpu.memory_space<vmem>>
    %dma_start3A_353 = tpu.memref_squeeze %dma_start3A_352 : memref<1x32x128xf32, #tpu.memory_space<vmem>> -> memref<32x128xf32, #tpu.memory_space<vmem>>
    %dma_start3A_354 = arith.constant 0 : i32
    %dma_start3A_355 = tpu.memref_slice %arg2[%dma_start3A_354, %multiple_of3A_340] : memref<32x1000000xf32, #tpu.memory_space<hbm>> -> memref<32x128xf32, #tpu.memory_space<hbm>>
    tpu.enqueue_dma source(%dma_start3A_355 : memref<32x128xf32, #tpu.memory_space<hbm>>) target(%dma_start3A_353 : memref<32x128xf32, #tpu.memory_space<vmem>>) target_semaphore(%arg8 : memref<!tpu.dma_semaphore, #tpu.memory_space<semaphore_mem>>)
    %scan3A = arith.constant 0 : i32
    %scan3A_356 = arith.constant 0 : i32
    %scan3A_357 = arith.constant 512 : i32
    %scan3A_358 = arith.addi %scan3A_356, %scan3A_357 : i32
    %scan3A_359 = arith.constant 1 : i32
    scf.for %scan3A_361 = %scan3A_356 to %scan3A_358 step %scan3A_359  : i32 {
      %add3A_362 = arith.constant 15 : i32
      %add3A_363 = arith.addi %scan3A_361, %add3A_362 : i32
      %lt3A = arith.constant 512 : i32
      %lt3A_364 = arith.cmpi slt, %add3A_363, %lt3A : i32
      %convert_element_type3A = arith.extui %lt3A_364 : i1 to i32
      %cond3A = arith.constant 0 : i32
      %cond3A_365 = arith.cmpi ne, %convert_element_type3A, %cond3A : i32
      scf.if %cond3A_365 {
        %add3A_404 = arith.constant 15 : i32
        %add3A_405 = arith.addi %scan3A_361, %add3A_404 : i32
        %get3A_406 = arith.index_cast %add3A_405 : i32 to index
        %get3A_407 = tpu.vector_load %arg5[%get3A_406] {strides = array<i32>} : memref<528xi32, #tpu.memory_space<vmem>>, vector<16xi32>,
        %slice3A_408 = vector.extract_strided_slice %get3A_407 {offsets = [0], sizes = [1], strides = [1]} : vector<16xi32> to vector<1xi32>
        %squeeze3A_409 = vector.extract %slice3A_408[0] : i32 from vector<1xi32>
        %shift_right_arithmetic3A_410 = arith.constant 7 : i32
        %shift_right_arithmetic3A_411 = arith.shrsi %squeeze3A_409, %shift_right_arithmetic3A_410 : i32
        %mul3A_412 = arith.constant 128 : i32
        %mul3A_413 = arith.muli %shift_right_arithmetic3A_411, %mul3A_412 : i32
        %multiple_of3A_414 = tpu.assume_multiple %mul3A_413, 128 : i32
        %rem3A_415 = arith.constant 16 : i32
        %rem3A_416 = arith.remsi %add3A_405, %rem3A_415 : i32
        %dma_start3A_417 = arith.constant 0 : i32
        %dma_start3A_418 = arith.constant 0 : i32
        %dma_start3A_419 = tpu.memref_slice %arg7[%rem3A_416, %dma_start3A_417, %dma_start3A_418] : memref<16x32x128xf32, #tpu.memory_space<vmem>> -> memref<1x32x128xf32, #tpu.memory_space<vmem>>
        %dma_start3A_420 = tpu.memref_squeeze %dma_start3A_419 : memref<1x32x128xf32, #tpu.memory_space<vmem>> -> memref<32x128xf32, #tpu.memory_space<vmem>>
        %dma_start3A_421 = arith.constant 0 : i32
        %dma_start3A_422 = tpu.memref_slice %arg2[%dma_start3A_421, %multiple_of3A_414] : memref<32x1000000xf32, #tpu.memory_space<hbm>> -> memref<32x128xf32, #tpu.memory_space<hbm>>
        %dma_start3A_423 = arith.constant 0 : i32
        %dma_start3A_424 = arith.constant 0 : i32
        %dma_start3A_425 = tpu.memref_slice %arg7[%rem3A_416, %dma_start3A_423, %dma_start3A_424] : memref<16x32x128xf32, #tpu.memory_space<vmem>> -> memref<1x32x128xf32, #tpu.memory_space<vmem>>
        %dma_start3A_426 = tpu.memref_squeeze %dma_start3A_425 : memref<1x32x128xf32, #tpu.memory_space<vmem>> -> memref<32x128xf32, #tpu.memory_space<vmem>>
        %dma_start3A_427 = arith.constant 0 : i32
        %dma_start3A_428 = tpu.memref_slice %arg2[%dma_start3A_427, %multiple_of3A_414] : memref<32x1000000xf32, #tpu.memory_space<hbm>> -> memref<32x128xf32, #tpu.memory_space<hbm>>
        tpu.enqueue_dma source(%dma_start3A_428 : memref<32x128xf32, #tpu.memory_space<hbm>>) target(%dma_start3A_426 : memref<32x128xf32, #tpu.memory_space<vmem>>) target_semaphore(%arg8 : memref<!tpu.dma_semaphore, #tpu.memory_space<semaphore_mem>>)
      } else {
      }
      %rem3A_366 = arith.constant 16 : i32
      %rem3A_367 = arith.remsi %scan3A_361, %rem3A_366 : i32
      %dma_wait3A = arith.constant 0 : i32
      %dma_wait3A_368 = arith.constant 0 : i32
      %dma_wait3A_369 = tpu.memref_slice %arg7[%rem3A_367, %dma_wait3A, %dma_wait3A_368] : memref<16x32x128xf32, #tpu.memory_space<vmem>> -> memref<1x32x128xf32, #tpu.memory_space<vmem>>
      %dma_wait3A_370 = tpu.memref_squeeze %dma_wait3A_369 : memref<1x32x128xf32, #tpu.memory_space<vmem>> -> memref<32x128xf32, #tpu.memory_space<vmem>>
      %dma_wait3A_371 = arith.constant 0 : i32
      %dma_wait3A_372 = arith.constant 0 : i32
      %dma_wait3A_373 = tpu.memref_slice %arg2[%dma_wait3A_371, %dma_wait3A_372] : memref<32x1000000xf32, #tpu.memory_space<hbm>> -> memref<32x128xf32, #tpu.memory_space<hbm>>
      %dma_wait3A_374 = arith.constant 0 : i32
      %dma_wait3A_375 = arith.constant 0 : i32
      %dma_wait3A_376 = tpu.memref_slice %arg7[%rem3A_367, %dma_wait3A_374, %dma_wait3A_375] : memref<16x32x128xf32, #tpu.memory_space<vmem>> -> memref<1x32x128xf32, #tpu.memory_space<vmem>>
      %dma_wait3A_377 = tpu.memref_squeeze %dma_wait3A_376 : memref<1x32x128xf32, #tpu.memory_space<vmem>> -> memref<32x128xf32, #tpu.memory_space<vmem>>
      %dma_wait3A_378 = arith.constant 0 : i32
      %dma_wait3A_379 = arith.constant 0 : i32
      %dma_wait3A_380 = tpu.memref_slice %arg2[%dma_wait3A_378, %dma_wait3A_379] : memref<32x1000000xf32, #tpu.memory_space<hbm>> -> memref<32x128xf32, #tpu.memory_space<hbm>>
      tpu.wait_dma2 semaphore(%arg8 : memref<!tpu.dma_semaphore, #tpu.memory_space<semaphore_mem>>) src(%dma_wait3A_380 : memref<32x128xf32, #tpu.memory_space<hbm>>) dst(%dma_wait3A_377 : memref<32x128xf32, #tpu.memory_space<vmem>>)
      %get3A_381 = arith.index_cast %scan3A_361 : i32 to index
      %get3A_382 = tpu.vector_load %arg5[%get3A_381] {strides = array<i32>} : memref<528xi32, #tpu.memory_space<vmem>>, vector<16xi32>,
      %slice3A_383 = vector.extract_strided_slice %get3A_382 {offsets = [0], sizes = [1], strides = [1]} : vector<16xi32> to vector<1xi32>
      %squeeze3A_384 = vector.extract %slice3A_383[0] : i32 from vector<1xi32>
      %and3A = arith.constant 127 : i32
      %and3A_385 = arith.andi %squeeze3A_384, %and3A : i32
      %broadcast_in_dim3A = vector.broadcast %and3A_385 : i32 to vector<16xi32>
      %rem3A_386 = arith.constant 16 : i32
      %rem3A_387 = arith.remsi %scan3A_361, %rem3A_386 : i32
      %broadcast_in_dim3A_388 = vector.broadcast %scan3A_361 : i32 to vector<16xi32>
      %gather3A = arith.constant 0 : i32
      %gather3A_389 = arith.constant 0 : i32
      %gather3A_390 = tpu.memref_slice %arg7[%rem3A_387, %gather3A, %gather3A_389] : memref<16x32x128xf32, #tpu.memory_space<vmem>> -> memref<1x32x128xf32, #tpu.memory_space<vmem>>
      %gather3A_391 = tpu.memref_squeeze %gather3A_390 : memref<1x32x128xf32, #tpu.memory_space<vmem>> -> memref<32x128xf32, #tpu.memory_space<vmem>>
      %gather3A_392 = tpu.vector_load_idx %gather3A_391[%iota3A, %broadcast_in_dim3A] : memref<32x128xf32, #tpu.memory_space<vmem>>[vector<16xi32>, vector<16xi32>], vector<16xf32>,
      %add3A_393 = arith.constant 16 : i32
      %add3A_394 = vector.broadcast %add3A_393 : i32 to vector<16xi32>
      %add3A_395 = arith.addi %iota3A, %add3A_394 : vector<16xi32>
      %gather3A_396 = arith.constant 0 : i32
      %gather3A_397 = arith.constant 0 : i32
      %gather3A_398 = tpu.memref_slice %arg7[%rem3A_387, %gather3A_396, %gather3A_397] : memref<16x32x128xf32, #tpu.memory_space<vmem>> -> memref<1x32x128xf32, #tpu.memory_space<vmem>>
      %gather3A_399 = tpu.memref_squeeze %gather3A_398 : memref<1x32x128xf32, #tpu.memory_space<vmem>> -> memref<32x128xf32, #tpu.memory_space<vmem>>
      %gather3A_400 = tpu.vector_load_idx %gather3A_399[%add3A_395, %broadcast_in_dim3A] : memref<32x128xf32, #tpu.memory_space<vmem>>[vector<16xi32>, vector<16xi32>], vector<16xf32>,
      tpu.vector_store_idx %arg6[%iota3A, %broadcast_in_dim3A_388], %gather3A_392 : memref<32x512xf32, #tpu.memory_space<vmem>>[vector<16xi32>, vector<16xi32>], vector<16xf32>,
      %add3A_401 = arith.constant 16 : i32
      %add3A_402 = vector.broadcast %add3A_401 : i32 to vector<16xi32>
      %add3A_403 = arith.addi %iota3A, %add3A_402 : vector<16xi32>
      tpu.vector_store_idx %arg6[%add3A_403, %broadcast_in_dim3A_388], %gather3A_400 : memref<32x512xf32, #tpu.memory_space<vmem>>[vector<16xi32>, vector<16xi32>], vector<16xf32>,
    }
    %scan3A_360 = arith.constant 512 : i32
    "tpu.region"() ({
      %run_scoped3A = tpu.sem_alloc : memref<!tpu.dma_semaphore, #tpu.memory_space<semaphore_mem>>
      %dma_start3A_361 = arith.constant 0 : i32
      %dma_start3A_362 = tpu.memref_slice %arg4[%dma_start3A_361, %mul3A_2] : memref<32x16384xf32, #tpu.memory_space<hbm>> -> memref<32x512xf32, #tpu.memory_space<hbm>>
      %dma_start3A_363 = arith.constant 0 : i32
      %dma_start3A_364 = tpu.memref_slice %arg4[%dma_start3A_363, %mul3A_2] : memref<32x16384xf32, #tpu.memory_space<hbm>> -> memref<32x512xf32, #tpu.memory_space<hbm>>
      tpu.enqueue_dma source(%arg6 : memref<32x512xf32, #tpu.memory_space<vmem>>) target(%dma_start3A_364 : memref<32x512xf32, #tpu.memory_space<hbm>>) target_semaphore(%run_scoped3A : memref<!tpu.dma_semaphore, #tpu.memory_space<semaphore_mem>>)
      %dma_wait3A = arith.constant 0 : i32
      %dma_wait3A_365 = tpu.memref_slice %arg4[%dma_wait3A, %mul3A_2] : memref<32x16384xf32, #tpu.memory_space<hbm>> -> memref<32x512xf32, #tpu.memory_space<hbm>>
      %dma_wait3A_366 = arith.constant 0 : i32
      %dma_wait3A_367 = tpu.memref_slice %arg4[%dma_wait3A_366, %mul3A_2] : memref<32x16384xf32, #tpu.memory_space<hbm>> -> memref<32x512xf32, #tpu.memory_space<hbm>>
      tpu.wait_dma2 semaphore(%run_scoped3A : memref<!tpu.dma_semaphore, #tpu.memory_space<semaphore_mem>>) src(%arg6 : memref<32x512xf32, #tpu.memory_space<vmem>>) dst(%dma_wait3A_367 : memref<32x512xf32, #tpu.memory_space<hbm>>)
      tpu.yield
    }) : () -> ()
    return
  }
}

</mosaic_0001>

<sc_bundles>
// kernel: _impl.3.cloned.1.call-start
scs
__scs_entry_jumppad:
0x0: {  	(pc) =	sbr.rel $0x88, $3  }
0x1: {  	(tag) =	ssettag $0x0;
	lr =	simm.s32 $0x1  }
0x2: {  	[smem:$0x3F9F] =	sst lr;
	_ =	strace $0xD0000000  }
0x3: {  	_ = 	snop  }
0x4: {  	_ = 	snop  }
0x5: {  	_ = 	snop  }
0x6: {  	_ = 	snop  }
0x7: {  	_ = 	snop  }
__scs_overlays_trampoline_lowered:
0x8: {  	[smem:$0x3FAE] =	sst s0  }
0x9: {  	[smem:$0x3FAF] =	sst s1  }
0xa: {  	[smem:$0x3FB0] =	sst s2  }
0xb: {  	[smem:$0x3FB1] =	sst s3  }
0xc: {  	[smem:$0x3FB2] =	sst s4  }
0xd: {  	[smem:$0x3FB3] =	sst s5  }
0xe: {  	[smem:$0x3FB4] =	sst s6  }
0xf: {  	[smem:$0x3FB5] =	sst s7  }
0x10: {  	[smem:$0x3FB6] =	sst s8  }
0x11: {  	[smem:$0x3FB7] =	sst s9;
	s0 =	simm.s32 @!p0 $0x0  }
0x12: {  	s1 =	sld [smem:$0x3F9D];
	s0 =	simm.s32 @p0 $0x1  }
0x13: {  	[smem:$0x3FB8] =	sst s0;
	s0 =	simm.s32 @!p1 $0x0  }
0x14: {  	s2 =	sld [smem:$0x3F9C];
	s0 =	simm.s32 @p1 $0x1  }
0x15: {  	[smem:$0x3FB9] =	sst s0;
	s0 =	simm.s32 @!p2 $0x0  }
0x16: {  	s3 =	sld [smem:$0x3FDB];
	s0 =	simm.s32 @p2 $0x1  }
0x17: {  	s4 =	simm.s32 $0x1BF5;
	[smem:$0x3FBB] =	sst s0  }
0x18: {  	s0 =	sld [smem:$0x3F9E];
	_ =	swait.ge [sflag:s4], $0x0  }
0x19: {  	s7 =	sld [smem:$0x3F9F]  }
0x1a: {  	s8 =	sadd.s32 $0xFFFFE003, lr  }
0x1b: {  	s9 =	sadd.s32 $0xFFFFFEF7, lr;
	s5 =	simm.s32 $0xFFFFFFFF;
	p2 =	slt.u32 s8, $0xFFFFF086  }
0x1c: {  	p1 =	slt.u32 s9, $0xF7A;
	s5 =	simm.s32 @!p2 $0x0  }
0x1d: {  	s5 =	simm.s32 @p1 $0x1;
	p0 =	seq.s32 s7, s2  }
0x1e: {  	s7 =	smul.u32 @!p0 $0xF7A, s2;
	p2 =	seq.s32 @!p0 s5, $0x0  }
0x1f: {  	s9 =	smul.u32 $0xF7A, s1;
	s8 =	simm.s32 @!p0 $0x1BF5;
	p2 =	por !p2, p0  }
0x20: {  	[sflag:s8] =	ssyncset.s32 @!p0 $0xFFFFF086;
	s6 =	sadd.s32 @!p0 s3, s7;
	s7 =	simm.s32 @!p0 $0x108  }
0x21: {  	s3 =	sadd.s32 s3, s9;
	s6 =	sadd.s32 @!p0 $0x88, s6;
	s7 =	simm.s32 @p2 $0x1082  }
0x22: {  	[simem:s7], [sflag:s8] =	dma.local @!p0 [hbm:s6], $0xF7A  }
0x23: {  	s9 =	sor.u32 $0xD0000000, s2;
	s6 =	simm.s32 $0x108;
	_ =	swait.ge @!p0 [sflag:s8], $0x0  }
0x24: {  	s3 =	sadd.s32 $0x88, s3;
	s6 =	simm.s32 @!p1 $0x1082;
	[sflag:s4] =	ssyncset.s32 $0xFFFFF086  }
0x25: {  	[simem:s6], [sflag:s4] =	dma.local [hbm:s3], $0xF7A  }
0x26: {  	[smem:$0x3F9F] =	sst s1;
	(tag) =	ssettag s2;
	_ =	strace s9  }
0x27: {  	s1 =	sld [smem:$0x3FAF]  }
0x28: {  	s2 =	sld [smem:$0x3FB0]  }
0x29: {  	s4 =	sld [smem:$0x3FB2]  }
0x2a: {  	p0 =	seq.s32 s5, $0x0;
	s5 =	sld [smem:$0x3FB3]  }
0x2b: {  	s6 =	sld [smem:$0x3FB4]  }
0x2c: {  	s7 =	sld [smem:$0x3FB5]  }
0x2d: {  	s3 =	simm.s32 $0x108;
	s8 =	sld [smem:$0x3FB6]  }
0x2e: {  	s3 =	simm.s32 @!p0 $0x1082;
	s9 =	sld [smem:$0x3FB7]  }
0x2f: {  	lr =	sadd.s32 s0, s3;
	s0 =	sld [smem:$0x3FAE]  }
0x30: {  	s3 =	sld [smem:$0x3FB1]  }
0x31: {  	[smem:$0x3FBA] =	sst s10  }
0x32: {  	s10 =	sld [smem:$0x3FB8];
	_ =	sdelay $0x3  }
0x33: {  	p0 =	seq.s32 s10, $0x1;
	s10 =	sld [smem:$0x3FBA];
	_ =	sdelay $0x3  }
0x34: {  	[smem:$0x3FBA] =	sst s10  }
0x35: {  	s10 =	sld [smem:$0x3FB9];
	_ =	sdelay $0x3  }
0x36: {  	p1 =	seq.s32 s10, $0x1;
	s10 =	sld [smem:$0x3FBA];
	_ =	sdelay $0x3  }
0x37: {  	[smem:$0x3FBA] =	sst s10  }
0x38: {  	s10 =	sld [smem:$0x3FBB]  }
0x39: {  	_ = 	snop;
	(pc) =	sbr.ind lr, $3  }
0x3a: {  	_ = 	snop  }
0x3b: {  	_ = 	snop  }
0x3c: {  	p2 =	seq.s32 s10, $0x1;
	s10 =	sld [smem:$0x3FBA]  }
0x3d: {  	_ =	shalt  }
0x3e: {  	_ =	shalt  }
0x3f: {  	_ =	shalt  }
0x40: {  	_ =	shalt  }
0x41: {  	_ =	shalt  }
0x42: {  	_ =	shalt  }
0x43: {  	_ =	shalt  }
0x44: {  	_ =	shalt  }
0x45: {  	_ =	shalt  }
0x46: {  	_ =	shalt  }
0x47: {  	_ =	shalt  }
0x48: {  	_ =	shalt  }
0x49: {  	_ =	shalt  }
0x4a: {  	_ =	shalt  }
0x4b: {  	_ =	shalt  }
0x4c: {  	_ =	shalt  }
0x4d: {  	_ =	shalt  }
0x4e: {  	_ =	shalt  }
0x4f: {  	_ =	shalt  }
0x50: {  	_ =	shalt  }
0x51: {  	_ =	shalt  }
0x52: {  	_ =	shalt  }
0x53: {  	_ =	shalt  }
0x54: {  	_ =	shalt  }
0x55: {  	_ =	shalt  }
0x56: {  	_ =	shalt  }
0x57: {  	_ =	shalt  }
0x58: {  	_ =	shalt  }
0x59: {  	_ =	shalt  }
0x5a: {  	_ =	shalt  }
0x5b: {  	_ =	shalt  }
0x5c: {  	_ =	shalt  }
0x5d: {  	_ =	shalt  }
0x5e: {  	_ =	shalt  }
0x5f: {  	_ =	shalt  }
0x60: {  	_ =	shalt  }
0x61: {  	_ =	shalt  }
0x62: {  	_ =	shalt  }
0x63: {  	_ =	shalt  }
0x64: {  	_ =	shalt  }
0x65: {  	_ =	shalt  }
0x66: {  	_ =	shalt  }
0x67: {  	_ =	shalt  }
0x68: {  	_ =	shalt  }
0x69: {  	_ =	shalt  }
0x6a: {  	_ =	shalt  }
0x6b: {  	_ =	shalt  }
0x6c: {  	_ =	shalt  }
0x6d: {  	_ =	shalt  }
0x6e: {  	_ =	shalt  }
0x6f: {  	_ =	shalt  }
0x70: {  	_ =	shalt  }
0x71: {  	_ =	shalt  }
0x72: {  	_ =	shalt  }
0x73: {  	_ =	shalt  }
0x74: {  	_ =	shalt  }
0x75: {  	_ =	shalt  }
0x76: {  	_ =	shalt  }
0x77: {  	_ =	shalt  }
0x78: {  	_ =	shalt  }
0x79: {  	_ =	shalt  }
0x7a: {  	_ =	shalt  }
0x7b: {  	_ =	shalt  }
0x7c: {  	_ =	shalt  }
0x7d: {  	_ =	shalt  }
0x7e: {  	_ =	shalt  }
0x7f: {  	_ =	shalt  }
0x80: {  	_ =	shalt  }
0x81: {  	_ =	shalt  }
0x82: {  	_ =	shalt  }
0x83: {  	_ =	shalt  }
0x84: {  	_ =	shalt  }
0x85: {  	_ =	shalt  }
0x86: {  	_ =	shalt  }
0x87: {  	_ =	shalt  }
.Lfunc_end0:
.L_simem_size_0:
called_computation.2_lowered:
.L_overlay_start_0:
0x88: {  	s2 =	sld [smem:$0x3FD9]  }
0x89: {  	s3 =	sld [smem:$0x3FFE];
	_ =	sdelay $0x1  }
0x8a: {  	s1 =	srdreg.scid  }
0x8b: {  	s0 =	sand.u32 $0x1, s1  }
0x8c: {  	s17 =	sshll.u32 s0, $0xA;
	s2 =	sadd.s32 s3, s2  }
0x8d: {  	s2 =	sadd.s32 s2, s17  }
0x8e: {  	[smem:$0x3FC6] =	sst s2  }
0x8f: {  	_ = 	snop  }
0x90: {  	s2 =	sld [smem:$0x3FC8]  }
0x91: {  	s18 =	sld [smem:$0x3FD0];
	(tm) =	ssettm $0x1  }
0x92: {  	s4 =	sld [smem:$0x3FFB];
	_ =	sdelay $0x3  }
0x93: {  	_ =	strace s4  }
0x94: {  	s4 =	sld [smem:$0x3FFC];
	_ =	sdelay $0x3  }
0x95: {  	_ =	strace s4  }
0x96: {  	s4 =	sld [smem:$0x3FFD];
	_ =	sdelay $0x3  }
0x97: {  	_ =	strace s4  }
0x98: {  	_ =	strace $0x8FFFFFFF  }
0x99: {  	s19 =	sld [smem:$0x3FDB];
	_ =	sdelay $0x1  }
0x9a: {  	s5 =	simm.s32 $_scs_section_size  }
0x9b: {  	s6 =	simm.s32 $_size__tile_overlayer_lowered;
	s7 =	simm.s32 $_tile_overlayer_lowered  }
0x9c: {  	s22 =	simm.s32 $0x1BFF;
	s21 =	sshll.u32 s7, $0x1;
	s4 =	sadd.s32 s5, s19  }
0x9d: {  	s8 =	simm.s32 $0x0;
	s20 =	sshll.u32 s6, $0x1;
	s6 =	sadd.s32 s21, s4  }
0x9e: {  	[timem:s8], [sflag:s22] =	dma.local [hbm:s6], s20  }
0x9f: {  	_ =	swait.ge [sflag:s22], s20  }
0xa0: {  	s5 =	ssub.s32 $0x0, s20;
	[sflag:s22] =	ssyncset.done $0x0  }
0xa1: {  	[sflag:s22] =	ssyncadd.s32 s5;
	_ =	sdelay $0x1  }
0xa2: {  	s23 =	simm.s32 $0x1B8B  }
0xa3: {  	_ =	swait.ge [sflag:s23], $0x1  }
0xa4: {  	[sflag:s23] =	ssyncset.done $0x0  }
0xa5: {  	s25 =	simm.s32 $0x1B8E;
	s24 =	sld [smem:$0x3FFE];
	[sflag:s23] =	ssyncadd.s32 $0xFFFFFFFF  }
0xa6: {  	s26 =	simm.s32 $execute0_lowered;
	[smem:$0x3FD2] =	sst s25  }
0xa7: {  	s6 =	sshll.u32 s26, $0x1;
	_ =	strace $0x80000049;
	[dreg:$0x1] =	wrdreg $0xFFFFFFFF  }
0xa8: {  	s28 =	simm.s32 $_size_execute0_lowered;
	s4 =	sadd.s32 s4, s6;
	[dreg:$0x0] =	wrdreg $0x0  }
0xa9: {  	s6 =	sshll.u32 s28, $0x1;
	[dreg:$0x2] =	wrdreg s4  }
0xaa: {  	[dreg:$0x3] =	wrdreg s6  }
0xab: {  	[dreg:$0x4] =	wrdreg $0xC0  }
0xac: {  	_ =	task [dreg:s8], $0x5FFFF  }
0xad: {  	[dreg:$0x1] =	wrdreg $0xFFFFFFFF  }
0xae: {  	[dreg:$0x0] =	wrdreg $0x60  }
0xaf: {  	[dreg:$0x2] =	wrdreg s2  }
0xb0: {  	[dreg:$0x3] =	wrdreg s24  }
0xb1: {  	[dreg:$0x4] =	wrdreg s18  }
0xb2: {  	[dreg:$0x5] =	wrdreg $0x9  }
0xb3: {  	_ =	task.clear_ibuf [dreg:s8], $0x6FFFF;
	_ =	strace $0x90000049  }
0xb4: {  	s29 =	simm.s32 $0x9;
	_ =	strace $0x8000004B  }
0xb5: {  	_ =	swait.ge [sflag:s29], $0x1  }
0xb6: {  	[sflag:s29] =	ssyncadd.s32 $0xFFFFFFFF  }
0xb7: {  	_ =	strace $0x9000004B  }
0xb8: {  	_ =	sfence  }
0xb9: {  	s30 =	sld [smem:$0x0];
	_ =	sdelay $0x2  }
0xba: {  	s31 =	sshll.u32 s1, $0xD;
	s1 =	sshrl.u32 s1, $0x2  }
0xbb: {  	s3 =	sand.u32 $0x4000, s31;
	s1 =	sadd.s32 s1, s30  }
0xbc: {  	s0 =	sor.u32 s3, s0;
	s1 =	sshll.u32 s1, $0x11  }
0xbd: {  	s0 =	sor.u32 s1, s0  }
0xbe: {  	s0 =	sadd.s32 $0x8F2B, s0  }
0xbf: {  	[sflag:s0] =	ssyncadd.remote.s32 $0x1  }
0xc0: {  	_ =	sfence.sel $0xFFFF  }
0xc1: {  	[dreg:$0x0] =	wrdreg $0xFFFFFFFF;
	(pc) =	sbr.abs _section_cstart, $3  }
0xc2: {  	[dreg:$0x1] =	wrdreg $0xFFFFFFFF  }
0xc3: {  	_ =	task.clear_ibuf [dreg:s8], $0x2FFFF;
	_ =	strace $0x9FFFFFFF  }
0xc4: {  	(tm) =	ssettm $0x7FFFFFFF  }
0xc5: {  	_ =	shalt  }
tec
execute0_lowered:
.L_overlay_start_1:
0x0: {  	(tag) =	ssettag $0x1  }
0x1: {  	v0 =	vlaneseq.u32;
	v1 =	vimm.s32 $0x1380  }
0x2: {  	vm0 =	vcmask $0x300;
	v2 =	vimm.s32 $0x3380;
	vm1 =	vcmask $0x704  }
0x3: {  	vm15 =	vcmask $0xB08;
	v1 =	vsel vm0, $0x0, v1;
	v2 =	vsel vm0, $0x2000, v2  }
0x4: {  	vm4 =	vcmask $0xF0C;
	v1 =	vsel vm1, $0x80, v1;
	v2 =	vsel vm1, $0x2080, v2  }
0x5: {  	s0 =	rddreg [dreg:$0x0];
	s1 =	srdreg.scid;
	vm5 =	vcmask $0x1310;
	v1 =	vsel vm15, $0x100, v1;
	v2 =	vsel vm15, $0x2100, v2  }
0x6: {  	s2 =	rddreg [dreg:$0x1];
	s3 =	stileid.u32;
	vm6 =	vcmask $0x1714;
	v1 =	vsel vm4, $0x180, v1;
	v2 =	vsel vm4, $0x2180, v2  }
0x7: {  	s5 =	rddreg [dreg:$0x2];
	vm7 =	vcmask $0x1B18;
	s7 =	simm.s32 $0x2;
	s8 =	simm.s32 $0x7A1400;
	v1 =	vsel vm5, $0x200, v1;
	v2 =	vsel vm5, $0x2200, v2  }
0x8: {  	vm8 =	vcmask $0x1F1C;
	s9 =	simm.s32 $0x400;
	s16 =	simm.s32 $0xA280;
	s17 =	simm.s32 $0xB280;
	v1 =	vsel vm6, $0x280, v1;
	v2 =	vsel vm6, $0x2280, v2  }
0x9: {  	vm9 =	vcmask $0x2320;
	s18 =	simm.s32 $0xC280;
	s19 =	simm.s32 $0xD280;
	s20 =	simm.s32 $0xE280;
	v1 =	vsel vm7, $0x300, v1;
	v2 =	vsel vm7, $0x2300, v2  }
0xa: {  	vm10 =	vcmask $0x2724;
	s21 =	simm.s32 $0xF280;
	s22 =	simm.s32 $0x10280;
	s23 =	simm.s32 $0x11280;
	v1 =	vsel vm8, $0x380, v1;
	v2 =	vsel vm8, $0x2380, v2  }
0xb: {  	vm11 =	vcmask $0x2B28;
	s24 =	simm.s32 $0x12280;
	s25 =	simm.s32 $0x1;
	s26 =	simm.s32 $0x280;
	v1 =	vsel vm9, $0x1000, v1;
	v2 =	vsel vm9, $0x3000, v2  }
0xc: {  	vm12 =	vcmask $0x2F2C;
	s28 =	simm.s32 $0x1000;
	s29 =	simm.s32 $0x20000;
	s1 =	sand.u32 $0x1, s1;
	v1 =	vsel vm10, $0x1080, v1;
	v2 =	vsel vm10, $0x3080, v2  }
0xd: {  	vm13 =	vcmask $0x3330;
	s30 =	simm.s32 $0x0;
	s4 =	sshll.u32 s3, $0xA;
	s6 =	sshll.u32 s1, $0x9;
	v1 =	vsel vm11, $0x1100, v1;
	v2 =	vsel vm11, $0x3100, v2  }
0xe: {  	vm14 =	vcmask $0x3734;
	s3 =	simm.s32 $0x0;
	s1 =	ssub.s32 $0x2, s1;
	s6 =	sor.u32 s6, s4;
	v1 =	vsel vm12, $0x1180, v1;
	v2 =	vsel vm12, $0x3180, v2  }
0xf: {  	v0 =	vmul.u32 $0x80, v0;
	[smem:$0x7FF] =	sst s3;
	s31 =	sshrl.u32 s1, $0x1;
	s4 =	sshrl.u32 s6, $0x3;
	v1 =	vsel vm13, $0x1200, v1;
	v2 =	vsel vm13, $0x3200, v2  }
0x10: {  	_ =	strace $0x8000004A;
	vm15 =	vcmask $0x3B38;
	s1 =	ssub.s32 s1, s31;
	s2 =	sadd.s32 s4, s2;
	v3 =	vsel vm14, $0x1280, v1;
	v4 =	vsel vm14, $0x3280, v2  }
0x11: {  	s5 =	sadd.s32 s5, s6;
	s6 =	smax.u32 s1, $0x1;
	s4 =	sadd.s32 $0x800, s2;
	v1 =	vor.u32 $0x800, v0;
	v2 =	vsel vm15, $0x1300, v3;
	v3 =	vsel vm15, $0x3300, v4  }
.LBB2_1:
0x12: {  	[tilespmem:s3], [sflag:$0x2] =	stream.linear.gather [hbm4b:s4+s3], $0x200, $0x38;
	[tilespmem:$0x14280] =	vst v63  }
0x13: {  	_ =	swait.ge [sflag:s7], $0x200  }
0x14: {  	[sflag:s7] =	ssyncset.done $0x0  }
0x15: {  	[sflag:s7] =	ssyncadd.s32 $0xFFFFFE00  }
0x16: {  	v4 =	vld [tilespmem:$0x0];
	_ =	sdelay $0x4  }
0x17: {  	(v2sf) =	vpush v4, $0x0;
	_ =	sdelay $0xe  }
0x18: {  	s1 =	spop (v2sf)  }
0x19: {  	s1 =	sand.u32 $0xFFFFF80, s1  }
0x1a: {  	s2 =	simm.s32 $0x4280;
	s1 =	sadd.s32 s0, s1  }
0x1b: {  	[tilespmem:s2], [sflag:$0x1] =	stream.strided.gather [hbm4b:s1+s9], $0x1000, s8, s9, $0x38;
	[tilespmem:$0x14280] =	vst v63  }
0x1c: {  	v4 =	vld [tilespmem:$0x1];
	_ =	sdelay $0x4  }
0x1d: {  	(v2sf) =	vpush v4, $0x0;
	_ =	sdelay $0xe  }
0x1e: {  	s14 =	spop (v2sf)  }
0x1f: {  	s1 =	sand.u32 $0xFFFFF80, s14  }
0x20: {  	s15 =	simm.s32 $0x5280;
	s1 =	sadd.s32 s0, s1  }
0x21: {  	[tilespmem:s15], [sflag:$0x1] =	stream.strided.gather [hbm4b:s1+s9], $0x1000, s8, s9, $0x38;
	[tilespmem:$0x14280] =	vst v63  }
0x22: {  	v4 =	vld [tilespmem:$0x2];
	_ =	sdelay $0x4  }
0x23: {  	(v2sf) =	vpush v4, $0x0;
	_ =	sdelay $0xe  }
0x24: {  	s10 =	spop (v2sf)  }
0x25: {  	s1 =	sand.u32 $0xFFFFF80, s10  }
0x26: {  	s11 =	simm.s32 $0x6280;
	s1 =	sadd.s32 s0, s1  }
0x27: {  	[tilespmem:s11], [sflag:$0x1] =	stream.strided.gather [hbm4b:s1+s9], $0x1000, s8, s9, $0x38;
	[tilespmem:$0x14280] =	vst v63  }
0x28: {  	v4 =	vld [tilespmem:$0x3];
	_ =	sdelay $0x4  }
0x29: {  	(v2sf) =	vpush v4, $0x0;
	_ =	sdelay $0xe  }
0x2a: {  	s12 =	spop (v2sf)  }
0x2b: {  	s1 =	sand.u32 $0xFFFFF80, s12  }
0x2c: {  	s13 =	simm.s32 $0x7280;
	s1 =	sadd.s32 s0, s1  }
0x2d: {  	[tilespmem:s13], [sflag:$0x1] =	stream.strided.gather [hbm4b:s1+s9], $0x1000, s8, s9, $0x38;
	[tilespmem:$0x14280] =	vst v63  }
0x2e: {  	v4 =	vld [tilespmem:$0x4];
	_ =	sdelay $0x4  }
0x2f: {  	(v2sf) =	vpush v4, $0x0;
	_ =	sdelay $0xe  }
0x30: {  	s14 =	spop (v2sf)  }
0x31: {  	s1 =	sand.u32 $0xFFFFF80, s14  }
0x32: {  	s15 =	simm.s32 $0x8280;
	s1 =	sadd.s32 s0, s1  }
0x33: {  	[tilespmem:s15], [sflag:$0x1] =	stream.strided.gather [hbm4b:s1+s9], $0x1000, s8, s9, $0x38;
	[tilespmem:$0x14280] =	vst v63  }
0x34: {  	v4 =	vld [tilespmem:$0x5];
	_ =	sdelay $0x4  }
0x35: {  	(v2sf) =	vpush v4, $0x0;
	_ =	sdelay $0xe  }
0x36: {  	s2 =	spop (v2sf)  }
0x37: {  	s1 =	sand.u32 $0xFFFFF80, s2  }
0x38: {  	s10 =	simm.s32 $0x9280;
	s1 =	sadd.s32 s0, s1  }
0x39: {  	[tilespmem:s10], [sflag:$0x1] =	stream.strided.gather [hbm4b:s1+s9], $0x1000, s8, s9, $0x38;
	[tilespmem:$0x14280] =	vst v63  }
0x3a: {  	v4 =	vld [tilespmem:$0x6];
	_ =	sdelay $0x4  }
0x3b: {  	(v2sf) =	vpush v4, $0x0;
	_ =	sdelay $0xe  }
0x3c: {  	s11 =	spop (v2sf)  }
0x3d: {  	s1 =	sand.u32 $0xFFFFF80, s11  }
0x3e: {  	s1 =	sadd.s32 s0, s1  }
0x3f: {  	[tilespmem:s16], [sflag:$0x1] =	stream.strided.gather [hbm4b:s1+s9], $0x1000, s8, s9, $0x38;
	[tilespmem:$0x14280] =	vst v63  }
0x40: {  	v4 =	vld [tilespmem:$0x7];
	_ =	sdelay $0x4  }
0x41: {  	(v2sf) =	vpush v4, $0x0;
	_ =	sdelay $0xe  }
0x42: {  	s12 =	spop (v2sf)  }
0x43: {  	s1 =	sand.u32 $0xFFFFF80, s12  }
0x44: {  	s1 =	sadd.s32 s0, s1  }
0x45: {  	[tilespmem:s17], [sflag:$0x1] =	stream.strided.gather [hbm4b:s1+s9], $0x1000, s8, s9, $0x38;
	[tilespmem:$0x14280] =	vst v63  }
0x46: {  	v4 =	vld [tilespmem:$0x8];
	_ =	sdelay $0x4  }
0x47: {  	(v2sf) =	vpush v4, $0x0;
	_ =	sdelay $0xe  }
0x48: {  	s13 =	spop (v2sf)  }
0x49: {  	s1 =	sand.u32 $0xFFFFF80, s13  }
0x4a: {  	s1 =	sadd.s32 s0, s1  }
0x4b: {  	[tilespmem:s18], [sflag:$0x1] =	stream.strided.gather [hbm4b:s1+s9], $0x1000, s8, s9, $0x38;
	[tilespmem:$0x14280] =	vst v63  }
0x4c: {  	v4 =	vld [tilespmem:$0x9];
	_ =	sdelay $0x4  }
0x4d: {  	(v2sf) =	vpush v4, $0x0;
	_ =	sdelay $0xe  }
0x4e: {  	s14 =	spop (v2sf)  }
0x4f: {  	s1 =	sand.u32 $0xFFFFF80, s14  }
0x50: {  	s1 =	sadd.s32 s0, s1  }
0x51: {  	[tilespmem:s19], [sflag:$0x1] =	stream.strided.gather [hbm4b:s1+s9], $0x1000, s8, s9, $0x38;
	[tilespmem:$0x14280] =	vst v63  }
0x52: {  	v4 =	vld [tilespmem:$0xA];
	_ =	sdelay $0x4  }
0x53: {  	(v2sf) =	vpush v4, $0x0;
	_ =	sdelay $0xe  }
0x54: {  	s15 =	spop (v2sf)  }
0x55: {  	s1 =	sand.u32 $0xFFFFF80, s15  }
0x56: {  	s1 =	sadd.s32 s0, s1  }
0x57: {  	[tilespmem:s20], [sflag:$0x1] =	stream.strided.gather [hbm4b:s1+s9], $0x1000, s8, s9, $0x38;
	[tilespmem:$0x14280] =	vst v63  }
0x58: {  	v4 =	vld [tilespmem:$0xB];
	_ =	sdelay $0x4  }
0x59: {  	(v2sf) =	vpush v4, $0x0;
	_ =	sdelay $0xe  }
0x5a: {  	s2 =	spop (v2sf)  }
0x5b: {  	s1 =	sand.u32 $0xFFFFF80, s2  }
0x5c: {  	s1 =	sadd.s32 s0, s1  }
0x5d: {  	[tilespmem:s21], [sflag:$0x1] =	stream.strided.gather [hbm4b:s1+s9], $0x1000, s8, s9, $0x38;
	[tilespmem:$0x14280] =	vst v63  }
0x5e: {  	v4 =	vld [tilespmem:$0xC];
	_ =	sdelay $0x4  }
0x5f: {  	(v2sf) =	vpush v4, $0x0;
	_ =	sdelay $0xe  }
0x60: {  	s10 =	spop (v2sf)  }
0x61: {  	s1 =	sand.u32 $0xFFFFF80, s10  }
0x62: {  	s1 =	sadd.s32 s0, s1  }
0x63: {  	[tilespmem:s22], [sflag:$0x1] =	stream.strided.gather [hbm4b:s1+s9], $0x1000, s8, s9, $0x38;
	[tilespmem:$0x14280] =	vst v63  }
0x64: {  	v4 =	vld [tilespmem:$0xD];
	_ =	sdelay $0x4  }
0x65: {  	(v2sf) =	vpush v4, $0x0;
	_ =	sdelay $0xe  }
0x66: {  	s11 =	spop (v2sf)  }
0x67: {  	s1 =	sand.u32 $0xFFFFF80, s11  }
0x68: {  	s1 =	sadd.s32 s0, s1  }
0x69: {  	[tilespmem:s23], [sflag:$0x1] =	stream.strided.gather [hbm4b:s1+s9], $0x1000, s8, s9, $0x38;
	[tilespmem:$0x14280] =	vst v63  }
0x6a: {  	v4 =	vld [tilespmem:$0xE];
	_ =	sdelay $0x4  }
0x6b: {  	(v2sf) =	vpush v4, $0x0;
	_ =	sdelay $0xe  }
0x6c: {  	s12 =	spop (v2sf)  }
0x6d: {  	s1 =	sand.u32 $0xFFFFF80, s12  }
0x6e: {  	s31 =	simm.s32 $0xF;
	p0 =	por $0x0, $0x0;
	s1 =	sadd.s32 s0, s1  }
0x6f: {  	[tilespmem:s24], [sflag:$0x1] =	stream.strided.gather [hbm4b:s1+s9], $0x1000, s8, s9, $0x38;
	[tilespmem:$0x14280] =	vst v63  }
0x70: {  	v4 =	vld @!p0 [tilespmem:s31+$0x0];
	_ =	sdelay $0x4  }
0x71: {  	(v2sf) =	vpush @!p0 v4, $0x0;
	_ =	sdelay $0xd  }
0x72: {  	s1 =	simm.s32 @!p0 $0x3C000  }
0x73: {  	s1 =	sand.u32 @!p0 $0x3C000, s1;
	s2 =	spop @!p0 (v2sf)  }
0x74: {  	s10 =	simm.s32 @!p0 $0x400;
	s1 =	sshrl.u32 @!p0 s1, $0x2;
	s2 =	sand.u32 @!p0 $0xFFFFF80, s2  }
0x75: {  	s11 =	simm.s32 @!p0 $0x7A1400;
	s1 =	sadd.s32 @!p0 $0x4280, s1;
	s2 =	sadd.s32 @!p0 s0, s2  }
0x76: {  	[tilespmem:s1], [sflag:$0x1] =	stream.strided.gather @!p0 [hbm4b:s2+s10], $0x1000, s11, s10, $0x38;
	[tilespmem:$0x14280] =	vst v63  }
0x77: {  	_ =	swait.ge [sflag:s25], $0x1000  }
0x78: {  	[sflag:s25] =	ssyncset.done $0x0  }
0x79: {  	[sflag:s25] =	ssyncadd.s32 $0xFFFFF000  }
0x7a: {  	v4 =	vld [tilespmem:s31+$0xFFFFFFF1];
	_ =	sdelay $0x4  }
0x7b: {  	(v2sf) =	vpush v4, $0x0;
	_ =	sdelay $0xe  }
0x7c: {  	s13 =	spop (v2sf)  }
0x7d: {  	s1 =	sand.u32 $0x7F, s13  }
0x7e: {  	v4 =	vor.u32 s1, v0  }
0x7f: {  	v5 =	vmov s3  }
0x80: {  	v6 =	vshll.u32 v5, $0x3;
	v7 =	vor.u32 s1, v1  }
0x81: {  	v5 =	vand.u32 $0x7F, v5;
	v6 =	vand.u32 $0xC00, v6;
	s14 =	sand.u32 $0x3C000, s3  }
0x82: {  	v5 =	vor.u32 v5, v6;
	s15 =	sshrl.u32 s14, $0x2  }
0x83: {  	v8 =	vor.u32 v2, v5;
	v6 =	vld.idx.msk [tilespmem:v4+s15+$0x4280], $0xffff;
	_ =	sdelay $0x1  }
0x84: {  	v5 =	vor.u32 v3, v5;
	v4 =	vld.idx.msk [tilespmem:v7+s15+$0x4280], $0xffff;
	_ =	sdelay $0x2  }
0x85: {  	s2 =	simm.s32 $0x4000;
	s10 =	simm.s32 $0x8000;
	s1 =	simm.s32 $0x1;
	[tilespmem:v8+s26+$0x0] =	vst.idx.msk $0xffff, v6  }
.LBB2_2:
0x86: {  	p1 =	sgt.u32 s1, $0x1F0  }
0x87: {  	[tilespmem:v5+s26+$0x0] =	vst.idx.msk $0xffff, v4;
	s31 =	sadd.s32 $0x1, s31;
	s11 =	smov.u32 s10;
	s10 =	sadd.s32 $0x4000, s10  }
0x88: {  	p0 =	sne.s32 s10, $0x800000;
	v4 =	vld @!p1 [tilespmem:s31+$0x0];
	s12 =	sadd.s32 @!p1 $0x3C000, s2  }
0x89: {  	s12 =	sand.u32 @!p1 $0x3C000, s12  }
0x8a: {  	s12 =	sshrl.u32 @!p1 s12, $0x2  }
0x8b: {  	s12 =	sadd.s32 @!p1 $0x4280, s12;
	_ =	sdelay $0x1  }
0x8c: {  	(v2sf) =	vpush @!p1 v4, $0x0;
	_ =	sdelay $0xe  }
0x8d: {  	s13 =	spop @!p1 (v2sf)  }
0x8e: {  	s13 =	sand.u32 @!p1 $0xFFFFF80, s13  }
0x8f: {  	s14 =	simm.s32 @!p1 $0x400;
	s15 =	simm.s32 @!p1 $0x7A1400;
	s13 =	sadd.s32 @!p1 s0, s13  }
0x90: {  	[tilespmem:s12], [sflag:$0x1] =	stream.strided.gather @!p1 [hbm4b:s13+s14], $0x1000, s15, s14, $0x38;
	[tilespmem:$0x14280] =	vst v63  }
0x91: {  	_ =	swait.ge [sflag:s25], $0x1000  }
0x92: {  	[sflag:s25] =	ssyncset.done $0x0  }
0x93: {  	[sflag:s25] =	ssyncadd.s32 $0xFFFFF000  }
0x94: {  	v4 =	vld [tilespmem:s31+$0xFFFFFFF1];
	_ =	sdelay $0x4  }
0x95: {  	(v2sf) =	vpush v4, $0x0;
	_ =	sdelay $0xe  }
0x96: {  	s12 =	spop (v2sf)  }
0x97: {  	s12 =	sand.u32 $0x7F, s12  }
0x98: {  	v4 =	vor.u32 s12, v0;
	v5 =	vor.u32 s12, v1;
	_ =	sdelay $0x1  }
0x99: {  	v6 =	vmov s1  }
0x9a: {  	v7 =	vshll.u32 v6, $0x3;
	s12 =	sand.u32 $0x3C000, s2;
	s2 =	smov.u32 s11  }
0x9b: {  	v6 =	vand.u32 $0x7F, v6;
	v7 =	vand.u32 $0xC00, v7;
	s11 =	sshrl.u32 s12, $0x2  }
0x9c: {  	v6 =	vor.u32 v6, v7;
	v8 =	vld.idx.msk [tilespmem:v4+s11+$0x4280], $0xffff  }
0x9d: {  	v7 =	vor.u32 v2, v6;
	v4 =	vld.idx.msk [tilespmem:v5+s11+$0x4280], $0xffff  }
.Ltmp0:
0x9e: {  	v5 =	vor.u32 v3, v6;
	(pc) =	sbr.rel @p0 .LBB2_2-.Ltmp0, $2  }
0x9f: {  	_ =	sdelay $0x2  }
0xa0: {  	s1 =	sadd.s32 $0x1, s1;
	[tilespmem:v7+s26+$0x0] =	vst.idx.msk $0xffff, v8  }
0xa1: {  	_ =	sdelay $0x3  }
0xa2: {  	p0 =	sgt.u32 s1, $0x1F0;
	[tilespmem:v5+s26+$0x0] =	vst.idx.msk $0xffff, v4;
	s10 =	sadd.s32 $0x1, s31  }
0xa3: {  	v4 =	vld @!p0 [tilespmem:s10+$0x0];
	_ =	sdelay $0x4  }
0xa4: {  	(v2sf) =	vpush @!p0 v4, $0x0;
	_ =	sdelay $0xd  }
0xa5: {  	s11 =	sadd.s32 @!p0 $0x3C000, s2  }
0xa6: {  	s11 =	sand.u32 @!p0 $0x3C000, s11;
	s12 =	spop @!p0 (v2sf)  }
0xa7: {  	s13 =	simm.s32 @!p0 $0x400;
	s11 =	sshrl.u32 @!p0 s11, $0x2;
	s12 =	sand.u32 @!p0 $0xFFFFF80, s12  }
0xa8: {  	s14 =	simm.s32 @!p0 $0x7A1400;
	s11 =	sadd.s32 @!p0 $0x4280, s11;
	s12 =	sadd.s32 @!p0 s0, s12  }
0xa9: {  	[tilespmem:s11], [sflag:$0x1] =	stream.strided.gather @!p0 [hbm4b:s12+s13], $0x1000, s14, s13, $0x38;
	[tilespmem:$0x14280] =	vst v63  }
0xaa: {  	_ =	swait.ge [sflag:s25], $0x1000  }
0xab: {  	[sflag:s25] =	ssyncset.done $0x0  }
0xac: {  	[sflag:s25] =	ssyncadd.s32 $0xFFFFF000  }
0xad: {  	v4 =	vld [tilespmem:s10+$0xFFFFFFF1];
	_ =	sdelay $0x4  }
0xae: {  	(v2sf) =	vpush v4, $0x0;
	_ =	sdelay $0xe  }
0xaf: {  	s15 =	spop (v2sf)  }
0xb0: {  	s10 =	sand.u32 $0x7F, s15  }
0xb1: {  	v4 =	vor.u32 s10, v0  }
0xb2: {  	v6 =	vmov s1;
	v5 =	vor.u32 s10, v1  }
0xb3: {  	v7 =	vshll.u32 v6, $0x3  }
0xb4: {  	s31 =	sand.u32 $0x3C000, s2;
	v6 =	vand.u32 $0x7F, v6;
	v7 =	vand.u32 $0xC00, v7  }
0xb5: {  	s1 =	sshrl.u32 s31, $0x2;
	v6 =	vor.u32 v6, v7  }
0xb6: {  	v7 =	vor.u32 v2, v6;
	v4 =	vld.idx.msk [tilespmem:v4+s1+$0x4280], $0xffff  }
0xb7: {  	v6 =	vor.u32 v3, v6;
	v5 =	vld.idx.msk [tilespmem:v5+s1+$0x4280], $0xffff;
	_ =	sdelay $0x2  }
0xb8: {  	s30 =	sadd.s32 $0x1, s30  }
0xb9: {  	p0 =	sne.s32 s30, s6;
	[tilespmem:v7+s26+$0x0] =	vst.idx.msk $0xffff, v4  }
.Ltmp1:
0xba: {  	[tilespmem:v6+s26+$0x0] =	vst.idx.msk $0xffff, v5;
	(pc) =	sbr.rel @p0 .LBB2_1-.Ltmp1, $4  }
0xbb: {  	[hbm4b:s5+s28] =	stream.strided.scatter [tilespmem:s26], [sflag:$0x2], $0x4000, s29, s28, $0x38;
	[tilespmem:$0x14280] =	vst v63  }
0xbc: {  	_ =	swait.ge [sflag:s7], $0x4000  }
0xbd: {  	[sflag:s7] =	ssyncset.done $0x0  }
0xbe: {  	[sflag:s7] =	ssyncadd.s32 $0xFFFFC000  }
0xbf: {  	_ =	sfence.sel $0x180000  }
0xc0: {  	[bflag:$0x0] =	sbarrier.arrive $0xFFFF  }
0xc1: {  	_ =	strace $0x9000004A  }
0xc2: {  	s0 =	stileid.u32;
	[bflag:$0x2] =	sbarrier.arrive $0xFFFF  }
0xc3: {  	p0 =	sne.s32 s0, $0x0;
	s0 =	rddreg [dreg:$0x3]  }
0xc4: {  	s0 =	sadd.s32 @!p0 $0x100000, s0  }
0xc5: {  	[sflag:s0] =	ssyncadd.tile.s32 @!p0 $0x1;
	_ =	shalt  }
.Lfunc_end2:
_tile_overlayer_lowered:
.L_overlay_start_2:
0xc6: {  	(tag) =	ssettag $0x2  }
0xc7: {  	s0 =	rddreg [dreg:$0x0];
	s2 =	stileid.u32  }
0xc8: {  	s1 =	rddreg [dreg:$0x1];
	p0 =	sne.s32 s2, $0x0  }
0xc9: {  	s3 =	rddreg [dreg:$0x2];
	[bflag:$0x3] =	sbarrier.arrive $0xFFFF;
	s2 =	simm.s32 @!p0 $0x1C02  }
0xca: {  	[timem:s3], [sflag:s2] =	dma.local @!p0 [hbm:s0], s1  }
0xcb: {  	s0 =	simm.s32 @!p0 $0x2  }
0xcc: {  	_ =	swait.ge @!p0 [sflag:s0], s1  }
0xcd: {  	s1 =	ssub.s32 @!p0 $0x0, s1;
	[sflag:s0] =	ssyncset.done @!p0 $0x0  }
0xce: {  	[sflag:s0] =	ssyncadd.s32 @!p0 s1  }
0xcf: {  	[bflag:$0x3] =	sbarrier.arrive $0xFFFF  }
0xd0: {  	_ =	shalt  }

// kernel: gather_offload_async_start.1
scs
__scs_entry_jumppad:
0x0: {  	(pc) =	sbr.rel $0x88, $3  }
0x1: {  	(tag) =	ssettag $0x0;
	lr =	simm.s32 $0x1  }
0x2: {  	[smem:$0x3F9F] =	sst lr;
	_ =	strace $0xD0000000  }
0x3: {  	_ = 	snop  }
0x4: {  	_ = 	snop  }
0x5: {  	_ = 	snop  }
0x6: {  	_ = 	snop  }
0x7: {  	_ = 	snop  }
__scs_overlays_trampoline_lowered:
0x8: {  	[smem:$0x3FAE] =	sst s0  }
0x9: {  	[smem:$0x3FAF] =	sst s1  }
0xa: {  	[smem:$0x3FB0] =	sst s2  }
0xb: {  	[smem:$0x3FB1] =	sst s3  }
0xc: {  	[smem:$0x3FB2] =	sst s4  }
0xd: {  	[smem:$0x3FB3] =	sst s5  }
0xe: {  	[smem:$0x3FB4] =	sst s6  }
0xf: {  	[smem:$0x3FB5] =	sst s7  }
0x10: {  	[smem:$0x3FB6] =	sst s8  }
0x11: {  	[smem:$0x3FB7] =	sst s9;
	s0 =	simm.s32 @!p0 $0x0  }
0x12: {  	s1 =	sld [smem:$0x3F9D];
	s0 =	simm.s32 @p0 $0x1  }
0x13: {  	[smem:$0x3FB8] =	sst s0;
	s0 =	simm.s32 @!p1 $0x0  }
0x14: {  	s2 =	sld [smem:$0x3F9C];
	s0 =	simm.s32 @p1 $0x1  }
0x15: {  	[smem:$0x3FB9] =	sst s0;
	s0 =	simm.s32 @!p2 $0x0  }
0x16: {  	s3 =	sld [smem:$0x3FDB];
	s0 =	simm.s32 @p2 $0x1  }
0x17: {  	s4 =	simm.s32 $0x1BF5;
	[smem:$0x3FBB] =	sst s0  }
0x18: {  	s0 =	sld [smem:$0x3F9E];
	_ =	swait.ge [sflag:s4], $0x0  }
0x19: {  	s7 =	sld [smem:$0x3F9F]  }
0x1a: {  	s8 =	sadd.s32 $0xFFFFE003, lr  }
0x1b: {  	s9 =	sadd.s32 $0xFFFFFEF7, lr;
	s5 =	simm.s32 $0xFFFFFFFF;
	p2 =	slt.u32 s8, $0xFFFFF086  }
0x1c: {  	p1 =	slt.u32 s9, $0xF7A;
	s5 =	simm.s32 @!p2 $0x0  }
0x1d: {  	s5 =	simm.s32 @p1 $0x1;
	p0 =	seq.s32 s7, s2  }
0x1e: {  	s7 =	smul.u32 @!p0 $0xF7A, s2;
	p2 =	seq.s32 @!p0 s5, $0x0  }
0x1f: {  	s9 =	smul.u32 $0xF7A, s1;
	s8 =	simm.s32 @!p0 $0x1BF5;
	p2 =	por !p2, p0  }
0x20: {  	[sflag:s8] =	ssyncset.s32 @!p0 $0xFFFFF086;
	s6 =	sadd.s32 @!p0 s3, s7;
	s7 =	simm.s32 @!p0 $0x108  }
0x21: {  	s3 =	sadd.s32 s3, s9;
	s6 =	sadd.s32 @!p0 $0x88, s6;
	s7 =	simm.s32 @p2 $0x1082  }
0x22: {  	[simem:s7], [sflag:s8] =	dma.local @!p0 [hbm:s6], $0xF7A  }
0x23: {  	s9 =	sor.u32 $0xD0000000, s2;
	s6 =	simm.s32 $0x108;
	_ =	swait.ge @!p0 [sflag:s8], $0x0  }
0x24: {  	s3 =	sadd.s32 $0x88, s3;
	s6 =	simm.s32 @!p1 $0x1082;
	[sflag:s4] =	ssyncset.s32 $0xFFFFF086  }
0x25: {  	[simem:s6], [sflag:s4] =	dma.local [hbm:s3], $0xF7A  }
0x26: {  	[smem:$0x3F9F] =	sst s1;
	(tag) =	ssettag s2;
	_ =	strace s9  }
0x27: {  	s1 =	sld [smem:$0x3FAF]  }
0x28: {  	s2 =	sld [smem:$0x3FB0]  }
0x29: {  	s4 =	sld [smem:$0x3FB2]  }
0x2a: {  	p0 =	seq.s32 s5, $0x0;
	s5 =	sld [smem:$0x3FB3]  }
0x2b: {  	s6 =	sld [smem:$0x3FB4]  }
0x2c: {  	s7 =	sld [smem:$0x3FB5]  }
0x2d: {  	s3 =	simm.s32 $0x108;
	s8 =	sld [smem:$0x3FB6]  }
0x2e: {  	s3 =	simm.s32 @!p0 $0x1082;
	s9 =	sld [smem:$0x3FB7]  }
0x2f: {  	lr =	sadd.s32 s0, s3;
	s0 =	sld [smem:$0x3FAE]  }
0x30: {  	s3 =	sld [smem:$0x3FB1]  }
0x31: {  	[smem:$0x3FBA] =	sst s10  }
0x32: {  	s10 =	sld [smem:$0x3FB8];
	_ =	sdelay $0x3  }
0x33: {  	p0 =	seq.s32 s10, $0x1;
	s10 =	sld [smem:$0x3FBA];
	_ =	sdelay $0x3  }
0x34: {  	[smem:$0x3FBA] =	sst s10  }
0x35: {  	s10 =	sld [smem:$0x3FB9];
	_ =	sdelay $0x3  }
0x36: {  	p1 =	seq.s32 s10, $0x1;
	s10 =	sld [smem:$0x3FBA];
	_ =	sdelay $0x3  }
0x37: {  	[smem:$0x3FBA] =	sst s10  }
0x38: {  	s10 =	sld [smem:$0x3FBB]  }
0x39: {  	_ = 	snop;
	(pc) =	sbr.ind lr, $3  }
0x3a: {  	_ = 	snop  }
0x3b: {  	_ = 	snop  }
0x3c: {  	p2 =	seq.s32 s10, $0x1;
	s10 =	sld [smem:$0x3FBA]  }
0x3d: {  	_ =	shalt  }
0x3e: {  	_ =	shalt  }
0x3f: {  	_ =	shalt  }
0x40: {  	_ =	shalt  }
0x41: {  	_ =	shalt  }
0x42: {  	_ =	shalt  }
0x43: {  	_ =	shalt  }
0x44: {  	_ =	shalt  }
0x45: {  	_ =	shalt  }
0x46: {  	_ =	shalt  }
0x47: {  	_ =	shalt  }
0x48: {  	_ =	shalt  }
0x49: {  	_ =	shalt  }
0x4a: {  	_ =	shalt  }
0x4b: {  	_ =	shalt  }
0x4c: {  	_ =	shalt  }
0x4d: {  	_ =	shalt  }
0x4e: {  	_ =	shalt  }
0x4f: {  	_ =	shalt  }
0x50: {  	_ =	shalt  }
0x51: {  	_ =	shalt  }
0x52: {  	_ =	shalt  }
0x53: {  	_ =	shalt  }
0x54: {  	_ =	shalt  }
0x55: {  	_ =	shalt  }
0x56: {  	_ =	shalt  }
0x57: {  	_ =	shalt  }
0x58: {  	_ =	shalt  }
0x59: {  	_ =	shalt  }
0x5a: {  	_ =	shalt  }
0x5b: {  	_ =	shalt  }
0x5c: {  	_ =	shalt  }
0x5d: {  	_ =	shalt  }
0x5e: {  	_ =	shalt  }
0x5f: {  	_ =	shalt  }
0x60: {  	_ =	shalt  }
0x61: {  	_ =	shalt  }
0x62: {  	_ =	shalt  }
0x63: {  	_ =	shalt  }
0x64: {  	_ =	shalt  }
0x65: {  	_ =	shalt  }
0x66: {  	_ =	shalt  }
0x67: {  	_ =	shalt  }
0x68: {  	_ =	shalt  }
0x69: {  	_ =	shalt  }
0x6a: {  	_ =	shalt  }
0x6b: {  	_ =	shalt  }
0x6c: {  	_ =	shalt  }
0x6d: {  	_ =	shalt  }
0x6e: {  	_ =	shalt  }
0x6f: {  	_ =	shalt  }
0x70: {  	_ =	shalt  }
0x71: {  	_ =	shalt  }
0x72: {  	_ =	shalt  }
0x73: {  	_ =	shalt  }
0x74: {  	_ =	shalt  }
0x75: {  	_ =	shalt  }
0x76: {  	_ =	shalt  }
0x77: {  	_ =	shalt  }
0x78: {  	_ =	shalt  }
0x79: {  	_ =	shalt  }
0x7a: {  	_ =	shalt  }
0x7b: {  	_ =	shalt  }
0x7c: {  	_ =	shalt  }
0x7d: {  	_ =	shalt  }
0x7e: {  	_ =	shalt  }
0x7f: {  	_ =	shalt  }
0x80: {  	_ =	shalt  }
0x81: {  	_ =	shalt  }
0x82: {  	_ =	shalt  }
0x83: {  	_ =	shalt  }
0x84: {  	_ =	shalt  }
0x85: {  	_ =	shalt  }
0x86: {  	_ =	shalt  }
0x87: {  	_ =	shalt  }
.Lfunc_end0:
.L_simem_size_0:
called_computation.1_lowered:
.L_overlay_start_0:
0x88: {  	s2 =	sld [smem:$0x3FD9]  }
0x89: {  	s3 =	sld [smem:$0x3FFE];
	_ =	sdelay $0x1  }
0x8a: {  	s1 =	srdreg.scid  }
0x8b: {  	s0 =	sand.u32 $0x1, s1  }
0x8c: {  	s16 =	sshll.u32 s0, $0xA;
	s2 =	sadd.s32 s3, s2  }
0x8d: {  	s2 =	sadd.s32 s2, s16  }
0x8e: {  	[smem:$0x3FC6] =	sst s2  }
0x8f: {  	_ = 	snop  }
0x90: {  	(tm) =	ssettm $0x1  }
0x91: {  	s17 =	sld [smem:$0x3FFB];
	_ =	sdelay $0x3  }
0x92: {  	_ =	strace s17  }
0x93: {  	s2 =	sld [smem:$0x3FFC];
	_ =	sdelay $0x3  }
0x94: {  	_ =	strace s2  }
0x95: {  	s2 =	sld [smem:$0x3FFD];
	_ =	sdelay $0x3  }
0x96: {  	_ =	strace s2  }
0x97: {  	_ =	strace $0x8FFFFFFF  }
0x98: {  	s18 =	sld [smem:$0x3FDB];
	_ =	sdelay $0x1  }
0x99: {  	s19 =	simm.s32 $_scs_section_size  }
0x9a: {  	s4 =	simm.s32 $_size__tile_overlayer_lowered;
	s5 =	simm.s32 $_tile_overlayer_lowered  }
0x9b: {  	s22 =	simm.s32 $0x1BFF;
	s21 =	sshll.u32 s5, $0x1;
	s2 =	sadd.s32 s19, s18  }
0x9c: {  	s6 =	simm.s32 $0x0;
	s20 =	sshll.u32 s4, $0x1;
	s4 =	sadd.s32 s21, s2  }
0x9d: {  	[timem:s6], [sflag:s22] =	dma.local [hbm:s4], s20  }
0x9e: {  	_ =	swait.ge [sflag:s22], s20  }
0x9f: {  	s3 =	ssub.s32 $0x0, s20;
	[sflag:s22] =	ssyncset.done $0x0  }
0xa0: {  	[sflag:s22] =	ssyncadd.s32 s3;
	_ =	sdelay $0x1  }
0xa1: {  	s23 =	simm.s32 $0x1B8B  }
0xa2: {  	_ =	swait.ge [sflag:s23], $0x1  }
0xa3: {  	[sflag:s23] =	ssyncset.done $0x0  }
0xa4: {  	s25 =	simm.s32 $0x1B8E;
	s24 =	sld [smem:$0x3FFE];
	[sflag:s23] =	ssyncadd.s32 $0xFFFFFFFF  }
0xa5: {  	s26 =	simm.s32 $execute0_lowered;
	[smem:$0x3FD2] =	sst s25  }
0xa6: {  	s4 =	sshll.u32 s26, $0x1;
	_ =	strace $0x8000004C;
	[dreg:$0x1] =	wrdreg $0xFFFFFFFF  }
0xa7: {  	s28 =	simm.s32 $_size_execute0_lowered;
	s2 =	sadd.s32 s2, s4;
	[dreg:$0x0] =	wrdreg $0x0  }
0xa8: {  	s4 =	sshll.u32 s28, $0x1;
	[dreg:$0x2] =	wrdreg s2  }
0xa9: {  	[dreg:$0x3] =	wrdreg s4  }
0xaa: {  	[dreg:$0x4] =	wrdreg $0xC0  }
0xab: {  	_ =	task [dreg:s6], $0x5FFFF  }
0xac: {  	[dreg:$0x1] =	wrdreg $0xFFFFFFFF  }
0xad: {  	[dreg:$0x0] =	wrdreg $0x60  }
0xae: {  	[dreg:$0x2] =	wrdreg s24  }
0xaf: {  	[dreg:$0x3] =	wrdreg $0x9  }
0xb0: {  	_ =	task.clear_ibuf [dreg:s6], $0x4FFFF;
	_ =	strace $0x9000004C  }
0xb1: {  	s29 =	simm.s32 $0x9;
	_ =	strace $0x8000004E  }
0xb2: {  	_ =	swait.ge [sflag:s29], $0x1  }
0xb3: {  	[sflag:s29] =	ssyncadd.s32 $0xFFFFFFFF  }
0xb4: {  	_ =	strace $0x9000004E  }
0xb5: {  	_ =	sfence  }
0xb6: {  	s30 =	sld [smem:$0x0];
	_ =	sdelay $0x2  }
0xb7: {  	s31 =	sshll.u32 s1, $0xD;
	s1 =	sshrl.u32 s1, $0x2  }
0xb8: {  	s3 =	sand.u32 $0x4000, s31;
	s1 =	sadd.s32 s1, s30  }
0xb9: {  	s0 =	sor.u32 s3, s0;
	s1 =	sshll.u32 s1, $0x11  }
0xba: {  	s0 =	sor.u32 s1, s0  }
0xbb: {  	s0 =	sadd.s32 $0x8F2B, s0  }
0xbc: {  	[sflag:s0] =	ssyncadd.remote.s32 $0x1  }
0xbd: {  	_ =	sfence.sel $0xFFFF  }
0xbe: {  	[dreg:$0x0] =	wrdreg $0xFFFFFFFF;
	(pc) =	sbr.abs _section_cstart, $3  }
0xbf: {  	[dreg:$0x1] =	wrdreg $0xFFFFFFFF  }
0xc0: {  	_ =	task.clear_ibuf [dreg:s6], $0x2FFFF;
	_ =	strace $0x9FFFFFFF  }
0xc1: {  	(tm) =	ssettm $0x7FFFFFFF  }
tec
execute0_lowered:
.L_overlay_start_1:
0x0: {  	(tag) =	ssettag $0x1  }
0x1: {  	s2 =	rddreg [dreg:$0x0]  }
0x2: {  	s0 =	rddreg [dreg:$0x1]  }
0x3: {  	s1 =	srdreg.scid;
	_ =	strace $0x8000004D;
	s4 =	simm.s32 $0x1  }
0x4: {  	s9 =	simm.s32 $0x3;
	s11 =	simm.s32 $0x0;
	s5 =	sshll.u32 s1, $0x4  }
.Ltmp0:
0x5: {  	s1 =	stileid.u32;
	s5 =	sand.u32 $0x10, s5;
	(pc) =	sbr.rel .LBB2_1-.Ltmp0, $4  }
0x6: {  	p0 =	por $0x0, $0x0;
	s3 =	sadd.s32 $0x800, s2;
	s6 =	sor.u32 s1, s5  }
0x7: {  	[sflag:s4] =	ssyncpa.u1 $0x0;
	s5 =	simm.s32 $0x2;
	s6 =	sshll.u32 s6, $0x9  }
0x8: {  	s7 =	sadd.s32 $0x40800, s2;
	[sflag:s5] =	ssyncpa.u1 $0x0;
	s8 =	sadd.s32 $0x200, s6  }
0x9: {  	vm0 =	vmmov $0xff;
	vm1 =	vcmask $0x3F20;
	[sflag:s9] =	ssyncpa.u1 $0x0;
	s10 =	smov.u32 s6;
	s9 =	simm.s32 $0x0  }
.LBB2_7:
0xa: {  	p1 =	slt.u32 s9, $0x2;
	s11 =	sadd.s32 $0x100, s10  }
0xb: {  	s13 =	smov.u32 s6;
	s9 =	sadd.s32 $0x1, s9;
	p2 =	slt.s32 s11, s8  }
0xc: {  	s13 =	smov.u32 @p2 s11;
	p2 =	sne.s32 s9, $0x4  }
.Ltmp1:
0xd: {  	_ = 	snop;
	(pc) =	sbr.rel @!p2 .LBB2_8-.Ltmp1, $4  }
0xe: {  	s12 =	simm.s32 @!p1 $0x3  }
0xf: {  	_ =	swait.ge @!p1 [sflag:s12], $0x8000  }
0x10: {  	p0 =	por !p0, !p0;
	[sflag:s12] =	ssyncset.done @!p1 $0x0  }
0x11: {  	s11 =	smov.u32 s10;
	s10 =	smov.u32 s13;
	[sflag:s12] =	ssyncadd.s32 @!p1 $0xFFFF8000  }
.LBB2_1:
0x12: {  	p1 =	sgt.u32 s9, $0x1  }
0x13: {  	s12 =	sshll.u32 @!p1 s9, $0x8;
	s13 =	sshrl.u32 @!p1 s10, $0x3  }
0x14: {  	s14 =	sand.u32 @!p1 $0x7, s10;
	s12 =	sxor.u32 @!p1 $0x100, s12;
	s13 =	sadd.s32 @!p1 s2, s13  }
0x15: {  	[tilespmem:s12], [sflag:$0x2] =	stream.linear.gather @!p1 [hbm4b:s13+s14], $0x100, $0x38;
	[tilespmem:$0x10200] =	vst v63  }
0x16: {  	p1 =	seq.s32 s9, $0x0  }
0x17: {  	p2 =	seq.s32 @!p1 s9, $0x3  }
0x18: {  	p1 =	por p1, p2  }
.Ltmp2:
0x19: {  	_ = 	snop;
	(pc) =	sbr.rel @p1 .LBB2_7-.Ltmp2, $1  }
0x1a: {  	_ =	sdelay $0x3  }
0x1b: {  	s12 =	simm.s32 $0x1  }
0x1c: {  	_ =	swait.ge [sflag:s5], $0x100;
	s12 =	simm.s32 @!p0 $0x0  }
0x1d: {  	[sflag:s5] =	ssyncset.done $0x0;
	s14 =	sshll.u32 s12, $0x8  }
0x1e: {  	[sflag:s5] =	ssyncadd.s32 $0xFFFFFF00;
	s13 =	sadd.s32 $0x0, s14  }
0x1f: {  	v0 =	vld.msk [tilespmem:s13+$0x0 ss:$0x1], $0xffff;
	_ =	sdelay $0x4  }
0x20: {  	vm2 =	vgt.s32 v0, $0x0  }
0x21: {  	v0 =	vnsel vm2, $0x0, v0  }
0x22: {  	v0 =	vmin.u32 v0, $0x3FFF  }
0x23: {  	v0 =	vshll.u32 v0, $0x4;
	_ =	sdelay $0x2  }
0x24: {  	s12 =	sshll.u32 s12, $0xF  }
0x25: {  	s12 =	sor.u32 $0x200, s12  }
0x26: {  	[tilespmem:s12], [sflag:$0x1] =	stream.indirect_vreg.gather [hbm:s3], $0x80, v0, vm0, $0x38;
	[tilespmem:$0x10200] =	vst v63  }
0x27: {  	s15 =	sadd.s32 $0x10, s14;
	s13 =	sadd.s32 $0x400, s12  }
0x28: {  	[tilespmem:s13], [sflag:$0x1] =	stream.indirect_vreg.gather [hbm:s3], $0x80, v0, vm1, $0x38;
	[tilespmem:$0x10200] =	vst v63  }
0x29: {  	s16 =	simm.s32 $0x80;
	v0 =	vld.msk [tilespmem:s15+$0x0 ss:$0x1], $0xffff;
	s15 =	smov.u32 s12  }
.LBB2_3:
0x2a: {  	p1 =	sne.s32 s16, $0x3C0;
	_ =	sdelay $0x4  }
0x2b: {  	vm2 =	vgt.s32 v0, $0x0  }
0x2c: {  	v0 =	vnsel vm2, $0x0, v0  }
0x2d: {  	v0 =	vmin.u32 v0, $0x3FFF  }
0x2e: {  	v0 =	vshll.u32 v0, $0x4;
	_ =	sdelay $0x3  }
.Ltmp3:
0x2f: {  	s17 =	sshra.s32 s16, $0x2;
	s15 =	sadd.s32 $0x800, s15;
	(pc) =	sbr.rel @p1 .LBB2_3-.Ltmp3, $4  }
0x30: {  	[tilespmem:s15], [sflag:$0x1] =	stream.indirect_vreg.gather [hbm:s3], $0x80, v0, vm0, $0x38;
	[tilespmem:$0x10200] =	vst v63  }
0x31: {  	s17 =	sadd.s32 s17, s14;
	s18 =	sadd.s32 $0x400, s15  }
0x32: {  	[tilespmem:s18], [sflag:$0x1] =	stream.indirect_vreg.gather [hbm:s3], $0x80, v0, vm1, $0x38;
	[tilespmem:$0x10200] =	vst v63  }
0x33: {  	s16 =	sadd.s32 $0x40, s16;
	v0 =	vld.msk [tilespmem:s17+$0x0 ss:$0x1], $0xffff  }
0x34: {  	_ =	sdelay $0x3  }
0x35: {  	vm2 =	vgt.s32 v0, $0x0  }
0x36: {  	v0 =	vnsel vm2, $0x0, v0  }
0x37: {  	v0 =	vmin.u32 v0, $0x3FFF  }
0x38: {  	v0 =	vshll.u32 v0, $0x4;
	_ =	sdelay $0x3  }
0x39: {  	s14 =	sadd.s32 $0x800, s15  }
0x3a: {  	[tilespmem:s14], [sflag:$0x1] =	stream.indirect_vreg.gather [hbm:s3], $0x80, v0, vm0, $0x38;
	[tilespmem:$0x10200] =	vst v63  }
0x3b: {  	s14 =	sadd.s32 $0x400, s14  }
0x3c: {  	[tilespmem:s14], [sflag:$0x1] =	stream.indirect_vreg.gather [hbm:s3], $0x80, v0, vm1, $0x38;
	[tilespmem:$0x10200] =	vst v63  }
0x3d: {  	s11 =	sshll.u32 s11, $0x4;
	_ =	swait.ge [sflag:s4], $0x8000  }
0x3e: {  	s11 =	sadd.s32 s11, s7;
	[sflag:s4] =	ssyncset.done $0x0  }
0x3f: {  	s15 =	sadd.s32 $0x0, s11;
	s14 =	simm.s32 $0x80;
	[sflag:s4] =	ssyncadd.s32 $0xFFFF8000  }
.LBB2_5:
0x40: {  	[hbm:s15] =	stream.linear.scatter [tilespmem:s12], [sflag:$0x3], $0x400, $0x38;
	[tilespmem:$0x10200] =	vst v63  }
0x41: {  	s15 =	smov.u32 s14;
	s12 =	smov.u32 s13;
	p1 =	sne.s32 s14, $0xF80  }
.Ltmp4:
0x42: {  	s14 =	sadd.s32 $0x80, s14;
	(pc) =	sbr.rel @p1 .LBB2_5-.Ltmp4, $2  }
0x43: {  	_ =	sdelay $0x2  }
0x44: {  	s13 =	sadd.s32 $0x400, s13;
	s15 =	sadd.s32 s15, s11  }
.Ltmp5:
0x45: {  	(pc) =	sbr.rel .LBB2_7-.Ltmp5, $2  }
0x46: {  	_ =	sdelay $0x2  }
0x47: {  	[hbm:s15] =	stream.linear.scatter [tilespmem:s12], [sflag:$0x3], $0x400, $0x38;
	[tilespmem:$0x10200] =	vst v63  }
.LBB2_8:
0x48: {  	_ =	sfence.sel $0x180000  }
0x49: {  	s2 =	simm.s32 $0x2;
	[bflag:$0x0] =	sbarrier.arrive $0xFFFF  }
0x4a: {  	s30 =	simm.s32 $0x3;
	[sflag:s2] =	ssyncpa.u1 $0x1  }
0x4b: {  	s31 =	simm.s32 $0x1;
	[sflag:s30] =	ssyncpa.u1 $0x1  }
0x4c: {  	[sflag:s31] =	ssyncpa.u1 $0x1  }
0x4d: {  	p0 =	sne.s32 s1, $0x0;
	_ =	strace $0x9000004D  }
0x4e: {  	s0 =	sadd.s32 @!p0 $0x100000, s0;
	[bflag:$0x2] =	sbarrier.arrive $0xFFFF  }
0x4f: {  	[sflag:s0] =	ssyncadd.tile.s32 @!p0 $0x1;
	_ =	shalt  }
.Lfunc_end2:
_tile_overlayer_lowered:
.L_overlay_start_2:
0x50: {  	(tag) =	ssettag $0x2  }
0x51: {  	s0 =	rddreg [dreg:$0x0];
	s2 =	stileid.u32  }
0x52: {  	s1 =	rddreg [dreg:$0x1];
	p0 =	sne.s32 s2, $0x0  }
0x53: {  	s3 =	rddreg [dreg:$0x2];
	[bflag:$0x3] =	sbarrier.arrive $0xFFFF;
	s2 =	simm.s32 @!p0 $0x1C01  }
0x54: {  	[timem:s3], [sflag:s2] =	dma.local @!p0 [hbm:s0], s1  }
0x55: {  	s0 =	simm.s32 @!p0 $0x1  }
0x56: {  	_ =	swait.ge @!p0 [sflag:s0], s1  }
0x57: {  	s1 =	ssub.s32 @!p0 $0x0, s1;
	[sflag:s0] =	ssyncset.done @!p0 $0x0  }
0x58: {  	[sflag:s0] =	ssyncadd.s32 @!p0 s1  }
0x59: {  	[bflag:$0x3] =	sbarrier.arrive $0xFFFF  }
0x5a: {  	_ =	shalt  }

// kernel: gather_offload_async_start
scs
__scs_entry_jumppad:
0x0: {  	(pc) =	sbr.rel $0x88, $3  }
0x1: {  	(tag) =	ssettag $0x0;
	lr =	simm.s32 $0x1  }
0x2: {  	[smem:$0x3F9F] =	sst lr;
	_ =	strace $0xD0000000  }
0x3: {  	_ = 	snop  }
0x4: {  	_ = 	snop  }
0x5: {  	_ = 	snop  }
0x6: {  	_ = 	snop  }
0x7: {  	_ = 	snop  }
__scs_overlays_trampoline_lowered:
0x8: {  	[smem:$0x3FAE] =	sst s0  }
0x9: {  	[smem:$0x3FAF] =	sst s1  }
0xa: {  	[smem:$0x3FB0] =	sst s2  }
0xb: {  	[smem:$0x3FB1] =	sst s3  }
0xc: {  	[smem:$0x3FB2] =	sst s4  }
0xd: {  	[smem:$0x3FB3] =	sst s5  }
0xe: {  	[smem:$0x3FB4] =	sst s6  }
0xf: {  	[smem:$0x3FB5] =	sst s7  }
0x10: {  	[smem:$0x3FB6] =	sst s8  }
0x11: {  	[smem:$0x3FB7] =	sst s9;
	s0 =	simm.s32 @!p0 $0x0  }
0x12: {  	s1 =	sld [smem:$0x3F9D];
	s0 =	simm.s32 @p0 $0x1  }
0x13: {  	[smem:$0x3FB8] =	sst s0;
	s0 =	simm.s32 @!p1 $0x0  }
0x14: {  	s2 =	sld [smem:$0x3F9C];
	s0 =	simm.s32 @p1 $0x1  }
0x15: {  	[smem:$0x3FB9] =	sst s0;
	s0 =	simm.s32 @!p2 $0x0  }
0x16: {  	s3 =	sld [smem:$0x3FDB];
	s0 =	simm.s32 @p2 $0x1  }
0x17: {  	s4 =	simm.s32 $0x1BF5;
	[smem:$0x3FBB] =	sst s0  }
0x18: {  	s0 =	sld [smem:$0x3F9E];
	_ =	swait.ge [sflag:s4], $0x0  }
0x19: {  	s7 =	sld [smem:$0x3F9F]  }
0x1a: {  	s8 =	sadd.s32 $0xFFFFE003, lr  }
0x1b: {  	s9 =	sadd.s32 $0xFFFFFEF7, lr;
	s5 =	simm.s32 $0xFFFFFFFF;
	p2 =	slt.u32 s8, $0xFFFFF086  }
0x1c: {  	p1 =	slt.u32 s9, $0xF7A;
	s5 =	simm.s32 @!p2 $0x0  }
0x1d: {  	s5 =	simm.s32 @p1 $0x1;
	p0 =	seq.s32 s7, s2  }
0x1e: {  	s7 =	smul.u32 @!p0 $0xF7A, s2;
	p2 =	seq.s32 @!p0 s5, $0x0  }
0x1f: {  	s9 =	smul.u32 $0xF7A, s1;
	s8 =	simm.s32 @!p0 $0x1BF5;
	p2 =	por !p2, p0  }
0x20: {  	[sflag:s8] =	ssyncset.s32 @!p0 $0xFFFFF086;
	s6 =	sadd.s32 @!p0 s3, s7;
	s7 =	simm.s32 @!p0 $0x108  }
0x21: {  	s3 =	sadd.s32 s3, s9;
	s6 =	sadd.s32 @!p0 $0x88, s6;
	s7 =	simm.s32 @p2 $0x1082  }
0x22: {  	[simem:s7], [sflag:s8] =	dma.local @!p0 [hbm:s6], $0xF7A  }
0x23: {  	s9 =	sor.u32 $0xD0000000, s2;
	s6 =	simm.s32 $0x108;
	_ =	swait.ge @!p0 [sflag:s8], $0x0  }
0x24: {  	s3 =	sadd.s32 $0x88, s3;
	s6 =	simm.s32 @!p1 $0x1082;
	[sflag:s4] =	ssyncset.s32 $0xFFFFF086  }
0x25: {  	[simem:s6], [sflag:s4] =	dma.local [hbm:s3], $0xF7A  }
0x26: {  	[smem:$0x3F9F] =	sst s1;
	(tag) =	ssettag s2;
	_ =	strace s9  }
0x27: {  	s1 =	sld [smem:$0x3FAF]  }
0x28: {  	s2 =	sld [smem:$0x3FB0]  }
0x29: {  	s4 =	sld [smem:$0x3FB2]  }
0x2a: {  	p0 =	seq.s32 s5, $0x0;
	s5 =	sld [smem:$0x3FB3]  }
0x2b: {  	s6 =	sld [smem:$0x3FB4]  }
0x2c: {  	s7 =	sld [smem:$0x3FB5]  }
0x2d: {  	s3 =	simm.s32 $0x108;
	s8 =	sld [smem:$0x3FB6]  }
0x2e: {  	s3 =	simm.s32 @!p0 $0x1082;
	s9 =	sld [smem:$0x3FB7]  }
0x2f: {  	lr =	sadd.s32 s0, s3;
	s0 =	sld [smem:$0x3FAE]  }
0x30: {  	s3 =	sld [smem:$0x3FB1]  }
0x31: {  	[smem:$0x3FBA] =	sst s10  }
0x32: {  	s10 =	sld [smem:$0x3FB8];
	_ =	sdelay $0x3  }
0x33: {  	p0 =	seq.s32 s10, $0x1;
	s10 =	sld [smem:$0x3FBA];
	_ =	sdelay $0x3  }
0x34: {  	[smem:$0x3FBA] =	sst s10  }
0x35: {  	s10 =	sld [smem:$0x3FB9];
	_ =	sdelay $0x3  }
0x36: {  	p1 =	seq.s32 s10, $0x1;
	s10 =	sld [smem:$0x3FBA];
	_ =	sdelay $0x3  }
0x37: {  	[smem:$0x3FBA] =	sst s10  }
0x38: {  	s10 =	sld [smem:$0x3FBB]  }
0x39: {  	_ = 	snop;
	(pc) =	sbr.ind lr, $3  }
0x3a: {  	_ = 	snop  }
0x3b: {  	_ = 	snop  }
0x3c: {  	p2 =	seq.s32 s10, $0x1;
	s10 =	sld [smem:$0x3FBA]  }
0x3d: {  	_ =	shalt  }
0x3e: {  	_ =	shalt  }
0x3f: {  	_ =	shalt  }
0x40: {  	_ =	shalt  }
0x41: {  	_ =	shalt  }
0x42: {  	_ =	shalt  }
0x43: {  	_ =	shalt  }
0x44: {  	_ =	shalt  }
0x45: {  	_ =	shalt  }
0x46: {  	_ =	shalt  }
0x47: {  	_ =	shalt  }
0x48: {  	_ =	shalt  }
0x49: {  	_ =	shalt  }
0x4a: {  	_ =	shalt  }
0x4b: {  	_ =	shalt  }
0x4c: {  	_ =	shalt  }
0x4d: {  	_ =	shalt  }
0x4e: {  	_ =	shalt  }
0x4f: {  	_ =	shalt  }
0x50: {  	_ =	shalt  }
0x51: {  	_ =	shalt  }
0x52: {  	_ =	shalt  }
0x53: {  	_ =	shalt  }
0x54: {  	_ =	shalt  }
0x55: {  	_ =	shalt  }
0x56: {  	_ =	shalt  }
0x57: {  	_ =	shalt  }
0x58: {  	_ =	shalt  }
0x59: {  	_ =	shalt  }
0x5a: {  	_ =	shalt  }
0x5b: {  	_ =	shalt  }
0x5c: {  	_ =	shalt  }
0x5d: {  	_ =	shalt  }
0x5e: {  	_ =	shalt  }
0x5f: {  	_ =	shalt  }
0x60: {  	_ =	shalt  }
0x61: {  	_ =	shalt  }
0x62: {  	_ =	shalt  }
0x63: {  	_ =	shalt  }
0x64: {  	_ =	shalt  }
0x65: {  	_ =	shalt  }
0x66: {  	_ =	shalt  }
0x67: {  	_ =	shalt  }
0x68: {  	_ =	shalt  }
0x69: {  	_ =	shalt  }
0x6a: {  	_ =	shalt  }
0x6b: {  	_ =	shalt  }
0x6c: {  	_ =	shalt  }
0x6d: {  	_ =	shalt  }
0x6e: {  	_ =	shalt  }
0x6f: {  	_ =	shalt  }
0x70: {  	_ =	shalt  }
0x71: {  	_ =	shalt  }
0x72: {  	_ =	shalt  }
0x73: {  	_ =	shalt  }
0x74: {  	_ =	shalt  }
0x75: {  	_ =	shalt  }
0x76: {  	_ =	shalt  }
0x77: {  	_ =	shalt  }
0x78: {  	_ =	shalt  }
0x79: {  	_ =	shalt  }
0x7a: {  	_ =	shalt  }
0x7b: {  	_ =	shalt  }
0x7c: {  	_ =	shalt  }
0x7d: {  	_ =	shalt  }
0x7e: {  	_ =	shalt  }
0x7f: {  	_ =	shalt  }
0x80: {  	_ =	shalt  }
0x81: {  	_ =	shalt  }
0x82: {  	_ =	shalt  }
0x83: {  	_ =	shalt  }
0x84: {  	_ =	shalt  }
0x85: {  	_ =	shalt  }
0x86: {  	_ =	shalt  }
0x87: {  	_ =	shalt  }
.Lfunc_end0:
.L_simem_size_0:
called_computation_lowered:
.L_overlay_start_0:
0x88: {  	s2 =	sld [smem:$0x3FD9]  }
0x89: {  	s3 =	sld [smem:$0x3FFE];
	_ =	sdelay $0x1  }
0x8a: {  	s1 =	srdreg.scid  }
0x8b: {  	s0 =	sand.u32 $0x1, s1  }
0x8c: {  	s17 =	sshll.u32 s0, $0xA;
	s2 =	sadd.s32 s3, s2  }
0x8d: {  	s2 =	sadd.s32 s2, s17  }
0x8e: {  	[smem:$0x3FC6] =	sst s2  }
0x8f: {  	_ = 	snop  }
0x90: {  	s2 =	sld [smem:$0x3FC9]  }
0x91: {  	s18 =	sld [smem:$0x3FD0];
	(tm) =	ssettm $0x1  }
0x92: {  	s4 =	sld [smem:$0x3FFB];
	_ =	sdelay $0x3  }
0x93: {  	_ =	strace s4  }
0x94: {  	s4 =	sld [smem:$0x3FFC];
	_ =	sdelay $0x3  }
0x95: {  	_ =	strace s4  }
0x96: {  	s4 =	sld [smem:$0x3FFD];
	_ =	sdelay $0x3  }
0x97: {  	_ =	strace s4  }
0x98: {  	_ =	strace $0x8FFFFFFF  }
0x99: {  	s19 =	sld [smem:$0x3FDB];
	_ =	sdelay $0x1  }
0x9a: {  	s5 =	simm.s32 $_scs_section_size  }
0x9b: {  	s6 =	simm.s32 $_size__tile_overlayer_lowered;
	s7 =	simm.s32 $_tile_overlayer_lowered  }
0x9c: {  	s22 =	simm.s32 $0x1BFF;
	s21 =	sshll.u32 s7, $0x1;
	s4 =	sadd.s32 s5, s19  }
0x9d: {  	s8 =	simm.s32 $0x0;
	s20 =	sshll.u32 s6, $0x1;
	s6 =	sadd.s32 s21, s4  }
0x9e: {  	[timem:s8], [sflag:s22] =	dma.local [hbm:s6], s20  }
0x9f: {  	_ =	swait.ge [sflag:s22], s20  }
0xa0: {  	s5 =	ssub.s32 $0x0, s20;
	[sflag:s22] =	ssyncset.done $0x0  }
0xa1: {  	[sflag:s22] =	ssyncadd.s32 s5;
	_ =	sdelay $0x1  }
0xa2: {  	s23 =	simm.s32 $0x1B8B  }
0xa3: {  	_ =	swait.ge [sflag:s23], $0x1  }
0xa4: {  	[sflag:s23] =	ssyncset.done $0x0  }
0xa5: {  	s25 =	simm.s32 $0x1B8E;
	s24 =	sld [smem:$0x3FFE];
	[sflag:s23] =	ssyncadd.s32 $0xFFFFFFFF  }
0xa6: {  	s26 =	simm.s32 $execute0_lowered;
	[smem:$0x3FD2] =	sst s25  }
0xa7: {  	s6 =	sshll.u32 s26, $0x1;
	_ =	strace $0x80000046;
	[dreg:$0x1] =	wrdreg $0xFFFFFFFF  }
0xa8: {  	s28 =	simm.s32 $_size_execute0_lowered;
	s4 =	sadd.s32 s4, s6;
	[dreg:$0x0] =	wrdreg $0x0  }
0xa9: {  	s6 =	sshll.u32 s28, $0x1;
	[dreg:$0x2] =	wrdreg s4  }
0xaa: {  	[dreg:$0x3] =	wrdreg s6  }
0xab: {  	[dreg:$0x4] =	wrdreg $0xC0  }
0xac: {  	_ =	task [dreg:s8], $0x5FFFF  }
0xad: {  	[dreg:$0x1] =	wrdreg $0xFFFFFFFF  }
0xae: {  	[dreg:$0x0] =	wrdreg $0x60  }
0xaf: {  	[dreg:$0x2] =	wrdreg s2  }
0xb0: {  	[dreg:$0x3] =	wrdreg s18  }
0xb1: {  	[dreg:$0x4] =	wrdreg s24  }
0xb2: {  	[dreg:$0x5] =	wrdreg $0x9  }
0xb3: {  	_ =	task.clear_ibuf [dreg:s8], $0x6FFFF;
	_ =	strace $0x90000046  }
0xb4: {  	s29 =	simm.s32 $0x9;
	_ =	strace $0x80000048  }
0xb5: {  	_ =	swait.ge [sflag:s29], $0x1  }
0xb6: {  	[sflag:s29] =	ssyncadd.s32 $0xFFFFFFFF  }
0xb7: {  	_ =	strace $0x90000048  }
0xb8: {  	_ =	sfence  }
0xb9: {  	s30 =	sld [smem:$0x0];
	_ =	sdelay $0x2  }
0xba: {  	s31 =	sshll.u32 s1, $0xD;
	s1 =	sshrl.u32 s1, $0x2  }
0xbb: {  	s3 =	sand.u32 $0x4000, s31;
	s1 =	sadd.s32 s1, s30  }
0xbc: {  	s0 =	sor.u32 s3, s0;
	s1 =	sshll.u32 s1, $0x11  }
0xbd: {  	s0 =	sor.u32 s1, s0  }
0xbe: {  	s0 =	sadd.s32 $0x8F2B, s0  }
0xbf: {  	[sflag:s0] =	ssyncadd.remote.s32 $0x1  }
0xc0: {  	_ =	sfence.sel $0xFFFF  }
0xc1: {  	[dreg:$0x0] =	wrdreg $0xFFFFFFFF;
	(pc) =	sbr.abs _section_cstart, $3  }
0xc2: {  	[dreg:$0x1] =	wrdreg $0xFFFFFFFF  }
0xc3: {  	_ =	task.clear_ibuf [dreg:s8], $0x2FFFF;
	_ =	strace $0x9FFFFFFF  }
0xc4: {  	(tm) =	ssettm $0x7FFFFFFF  }
0xc5: {  	_ =	shalt  }
tec
execute0_lowered:
.L_overlay_start_1:
0x0: {  	(tag) =	ssettag $0x1  }
0x1: {  	s2 =	rddreg [dreg:$0x0]  }
0x2: {  	s1 =	srdreg.scid;
	s3 =	rddreg [dreg:$0x1]  }
0x3: {  	s0 =	stileid.u32;
	s5 =	rddreg [dreg:$0x2]  }
0x4: {  	s9 =	simm.s32 $0x1;
	s10 =	simm.s32 $0x3;
	s1 =	sshll.u32 s1, $0x8  }
0x5: {  	s13 =	simm.s32 $0x0;
	s4 =	sshll.u32 s0, $0x9;
	s6 =	sand.u32 $0x100, s1  }
0x6: {  	s12 =	simm.s32 $0x0;
	s5 =	sadd.s32 $0x800, s5;
	s4 =	sor.u32 s4, s6  }
0x7: {  	s1 =	rddreg [dreg:$0x3];
	_ =	strace $0x80000047;
	s8 =	ssub.s32 $0x4000, s4  }
.Ltmp0:
0x8: {  	s6 =	simm.s32 $0x1;
	s7 =	sand.u32 $0x1F00, s8;
	(pc) =	sbr.rel .LBB2_1-.Ltmp0, $4  }
0x9: {  	[sflag:s6] =	ssyncpa.u1 $0x0;
	s11 =	smov.u32 s4;
	p0 =	sne.s32 s7, $0x0  }
0xa: {  	s8 =	sshrl.u32 s8, $0xD;
	s7 =	simm.s32 $0x2;
	s9 =	simm.s32 @!p0 $0x0  }
0xb: {  	[sflag:s7] =	ssyncpa.u1 $0x0;
	p0 =	por $0x0, $0x0;
	s8 =	sadd.s32 s9, s8  }
0xc: {  	vm0 =	vmmov $0xffff;
	[sflag:s10] =	ssyncpa.u1 $0x0;
	s10 =	simm.s32 $0x0;
	s9 =	sadd.s32 $0x1, s8  }
.LBB2_4:
0xd: {  	v2 =	vnsel vm1, $0x0, v2  }
0xe: {  	vm1 =	vgt.s32 v0, $0x0;
	v2 =	vmin.u32 v2, $0x3FFF  }
0xf: {  	v0 =	vnsel vm1, $0x0, v0  }
0x10: {  	v0 =	vmin.u32 v0, $0x3FFF  }
0x11: {  	[tilespmem:s15], [sflag:$0x1] =	stream.indirect_vreg.gather [hbm4b:s2+s10], $0x1, v1, vm0, $0x4038;
	[tilespmem:$0x400] =	vst v63  }
0x12: {  	(ifvalue) =	ssetifvalue $0x7FFFFFFF  }
0x13: {  	[tilespmem:s16], [sflag:$0x1] =	stream.indirect_vreg.gather [hbm4b:s2+s10], $0x1, v2, vm0, $0x4038;
	[tilespmem:$0x400] =	vst v63  }
0x14: {  	s29 =	sadd.s32 $0x10, s16;
	(ifvalue) =	ssetifvalue $0x7FFFFFFF  }
0x15: {  	[tilespmem:s29], [sflag:$0x1] =	stream.indirect_vreg.gather [hbm4b:s2+s10], $0x1, v0, vm0, $0x4038;
	[tilespmem:$0x400] =	vst v63  }
0x16: {  	_ =	swait.ge [sflag:s6], $0x100  }
0x17: {  	s30 =	sshrl.u32 s13, $0x3;
	[sflag:s6] =	ssyncset.done $0x0  }
0x18: {  	s31 =	sand.u32 $0x7, s13;
	s15 =	sadd.s32 s5, s30;
	[sflag:s6] =	ssyncadd.s32 $0xFFFFFF00  }
0x19: {  	[hbm4b:s15+s31] =	stream.linear.scatter [tilespmem:s14], [sflag:$0x3], $0x100, $0x38;
	[tilespmem:$0x400] =	vst v63  }
.LBB2_5:
0x1a: {  	s15 =	sadd.s32 $0x2000, s11  }
0x1b: {  	p2 =	sgt.s32 s15, $0x3FFF  }
0x1c: {  	s15 =	smov.u32 @p2 s4;
	p2 =	sne.s32 s12, s9  }
.Ltmp1:
0x1d: {  	p1 =	slt.u32 s12, $0x2;
	(pc) =	sbr.rel @!p2 .LBB2_6-.Ltmp1, $4  }
0x1e: {  	s14 =	simm.s32 @!p1 $0x3  }
0x1f: {  	s16 =	sadd.s32 $0x1, s12;
	_ =	swait.ge @!p1 [sflag:s14], $0x100  }
0x20: {  	s13 =	smov.u32 s11;
	p0 =	por !p0, !p0;
	[sflag:s14] =	ssyncset.done @!p1 $0x0  }
0x21: {  	s12 =	smov.u32 s16;
	s11 =	smov.u32 s15;
	[sflag:s14] =	ssyncadd.s32 @!p1 $0xFFFFFF00  }
.LBB2_1:
0x22: {  	p1 =	sge.u32 s12, s8  }
0x23: {  	s14 =	sxor.u32 @!p1 $0xFFFFFFFF, s12  }
0x24: {  	s31 =	sadd.s32 $0xFFFFFFFF, s12;
	s15 =	sshrl.u32 @!p1 s11, $0x3;
	s14 =	sshll.u32 @!p1 s14, $0x8  }
0x25: {  	s16 =	sand.u32 @!p1 $0x7, s11;
	s15 =	sadd.s32 @!p1 s3, s15;
	s14 =	sand.u32 @!p1 $0x100, s14  }
0x26: {  	[tilespmem:s14], [sflag:$0x2] =	stream.linear.gather @!p1 [hbm4b:s15+s16], $0x100, $0x38;
	[tilespmem:$0x400] =	vst v63  }
0x27: {  	p1 =	sge.u32 s31, s8  }
.Ltmp2:
0x28: {  	_ = 	snop;
	(pc) =	sbr.rel @p1 .LBB2_5-.Ltmp2, $1  }
0x29: {  	_ =	sdelay $0x3  }
0x2a: {  	s14 =	simm.s32 $0x1  }
0x2b: {  	_ =	swait.ge [sflag:s7], $0x100;
	s14 =	simm.s32 @!p0 $0x0  }
0x2c: {  	[sflag:s7] =	ssyncset.done $0x0;
	s14 =	sshll.u32 s14, $0x8  }
0x2d: {  	[sflag:s7] =	ssyncadd.s32 $0xFFFFFF00;
	(ifvalue) =	ssetifvalue $0x7FFFFFFF;
	v0 =	vld.msk [tilespmem:s14+$0x0 ss:$0x1], $0xffff;
	_ =	sdelay $0x4  }
0x2e: {  	s15 =	sadd.s32 $0x10, s14;
	vm1 =	vgt.s32 v0, $0x0  }
0x2f: {  	v2 =	vld.msk [tilespmem:s15+$0x0 ss:$0x1], $0xffff;
	v1 =	vnsel vm1, $0x0, v0  }
0x30: {  	v1 =	vmin.u32 v1, $0x3FFF;
	_ =	sdelay $0x1  }
0x31: {  	s16 =	sshll.u32 s12, $0x8;
	s18 =	simm.s32 $0x20  }
0x32: {  	s16 =	sand.u32 $0x100, s16;
	s17 =	sadd.s32 $0x10, s15;
	s15 =	sor.u32 $0x200, s14  }
0x33: {  	s14 =	sor.u32 $0x200, s16;
	s16 =	sadd.s32 $0x10, s15;
	v0 =	vld.msk [tilespmem:s17+$0x0 ss:$0x1], $0xffff;
	vm1 =	vgt.s32 v2, $0x0;
	(ifvalue) =	ssetifvalue $0x7FFFFFFF  }
.LBB2_3:
0x34: {  	[tilespmem:s15], [sflag:$0x1] =	stream.indirect_vreg.gather [hbm4b:s2+s10], $0x1, v1, vm0, $0x4038;
	[tilespmem:$0x400] =	vst v63  }
0x35: {  	s18 =	sadd.s32 $0x10, s18  }
0x36: {  	v2 =	vnsel vm1, $0x0, v2;
	p1 =	slt.u32 s18, $0xF0  }
.Ltmp3:
0x37: {  	s15 =	smov.u32 s16;
	v1 =	vmin.u32 v2, $0x3FFF;
	(pc) =	sbr.rel @p1 .LBB2_3-.Ltmp3, $3  }
0x38: {  	_ =	sdelay $0x1  }
0x39: {  	s17 =	sadd.s32 $0x10, s17  }
0x3a: {  	vm1 =	vgt.s32 v0, $0x0;
	s16 =	sadd.s32 $0x10, s16;
	v2 =	vmov v0;
	(ifvalue) =	ssetifvalue $0x7FFFFFFF;
	v0 =	vld.msk [tilespmem:s17+$0x0 ss:$0x1], $0xffff  }
.Ltmp4:
0x3b: {  	_ = 	snop;
	(pc) =	sbr.rel .LBB2_4-.Ltmp4, $1  }
0x3c: {  	_ =	sdelay $0x3  }
.LBB2_6:
0x3d: {  	_ =	sfence.sel $0x180000  }
0x3e: {  	s2 =	simm.s32 $0x2;
	[bflag:$0x0] =	sbarrier.arrive $0xFFFF  }
0x3f: {  	s30 =	simm.s32 $0x3;
	[sflag:s2] =	ssyncpa.u1 $0x1  }
0x40: {  	s31 =	simm.s32 $0x1;
	[sflag:s30] =	ssyncpa.u1 $0x1  }
0x41: {  	[sflag:s31] =	ssyncpa.u1 $0x1  }
0x42: {  	p0 =	sne.s32 s0, $0x0;
	_ =	strace $0x90000047  }
0x43: {  	s0 =	sadd.s32 @!p0 $0x100000, s1;
	[bflag:$0x2] =	sbarrier.arrive $0xFFFF  }
0x44: {  	[sflag:s0] =	ssyncadd.tile.s32 @!p0 $0x1;
	_ =	shalt  }
.Lfunc_end2:
_tile_overlayer_lowered:
.L_overlay_start_2:
0x45: {  	(tag) =	ssettag $0x2  }
0x46: {  	s0 =	rddreg [dreg:$0x0];
	s2 =	stileid.u32  }
0x47: {  	s1 =	rddreg [dreg:$0x1];
	p0 =	sne.s32 s2, $0x0  }
0x48: {  	s3 =	rddreg [dreg:$0x2];
	[bflag:$0x3] =	sbarrier.arrive $0xFFFF;
	s2 =	simm.s32 @!p0 $0x1C01  }
0x49: {  	[timem:s3], [sflag:s2] =	dma.local @!p0 [hbm:s0], s1  }
0x4a: {  	s0 =	simm.s32 @!p0 $0x1  }
0x4b: {  	_ =	swait.ge @!p0 [sflag:s0], s1  }
0x4c: {  	s1 =	ssub.s32 @!p0 $0x0, s1;
	[sflag:s0] =	ssyncset.done @!p0 $0x0  }
0x4d: {  	[sflag:s0] =	ssyncadd.s32 @!p0 s1  }
0x4e: {  	[bflag:$0x3] =	sbarrier.arrive $0xFFFF  }
0x4f: {  	_ =	shalt  }

</sc_bundles>
